<compile_context>
chip_gen: v7x
topology: tpu7x:2x2x1
jax: 0.10.2.dev20260603
libtpu: 0.0.44.dev20260713+nightly
codegen_flags: <defaults>
</compile_context>

<pallas_src>
import functools

import jax
import jax.numpy as jnp
from jax.experimental import pallas as pl

E = 2048
HIDDEN = 128
HEADS = 8
HEAD_DIM = HIDDEN // HEADS
NUM_RADIAL = 64
CUTOFF = 10.0
TOP_K = 32
P = 2 * E * TOP_K

BLK = 2048


def _silu(x):
    return x * jax.nn.sigmoid(x)


def _unpack_pair(w):
    wi = jax.lax.bitcast_convert_type(w, jnp.uint32)
    lo = jax.lax.bitcast_convert_type(wi << 16, jnp.float32)
    hi = jax.lax.bitcast_convert_type(wi & jnp.uint32(0xFFFF0000), jnp.float32)
    return lo, hi


def _pair_mlp_body(g1_ref, g2_ref, cd_ref, aqt_ref, akt_ref, art_ref, ad_ref,
                   ab1_ref, aw2t_ref, ab2_ref, aw3t_ref, cent_ref, ab3_ref,
                   out_ref):
    qe, qo = _unpack_pair(g1_ref[:, :HIDDEN // 2])
    ke, ko = _unpack_pair(g2_ref[:, :HIDDEN // 2])
    cd = cd_ref[...]
    d2 = jnp.sum(cd * cd, axis=-1, keepdims=True)
    d = jnp.sqrt(d2 + 1e-12)
    gamma = (NUM_RADIAL / CUTOFF) ** 2
    cent = cent_ref[...]
    rf = jnp.exp(-gamma * (d - cent) ** 2)
    rfc = jnp.dot(rf, art_ref[...], preferred_element_type=jnp.float32)
    ab1 = ab1_ref[...]
    aw2t = aw2t_ref[...]
    ab2 = ab2_ref[...]
    aw3t = aw3t_ref[...]
    ad = ad_ref[...]
    HW = HEAD_DIM // 2
    for h in range(HEADS):
        qp = jnp.concatenate([qe[:, h * HW:(h + 1) * HW],
                              qo[:, h * HW:(h + 1) * HW]], axis=1)
        kp = jnp.concatenate([ke[:, h * HW:(h + 1) * HW],
                              ko[:, h * HW:(h + 1) * HW]], axis=1)
        dp = jnp.sum(qp * kp, axis=-1, keepdims=True)
        pre = (jnp.dot(qp, aqt_ref[...], preferred_element_type=jnp.float32)
               + jnp.dot(kp, akt_ref[...], preferred_element_type=jnp.float32)
               + rfc + dp * ad + ab1)
        h1 = _silu(pre)
        h2 = _silu(jnp.dot(h1, aw2t, preferred_element_type=jnp.float32) + ab2)
        s = jnp.dot(h2, aw3t[:, h:h + 1], preferred_element_type=jnp.float32)
        out_ref[:, h:h + 1] = jnp.exp(s + ab3_ref[0:1, h:h + 1])


def _pair_scores(g1, g2, cd4, aqt, akt, art, ad, ab1, aw2t, ab2, aw3t, cent,
                 ab3):
    nblk = P // BLK
    row = lambda i: (i, 0)
    fixed = lambda i: (0, 0)
    return pl.pallas_call(
        _pair_mlp_body,
        grid=(nblk,),
        in_specs=[
            pl.BlockSpec((BLK, D1), row),
            pl.BlockSpec((BLK, D2), row),
            pl.BlockSpec((BLK, 4), row),
            pl.BlockSpec((HEAD_DIM, HIDDEN), fixed),
            pl.BlockSpec((HEAD_DIM, HIDDEN), fixed),
            pl.BlockSpec((NUM_RADIAL, HIDDEN), fixed),
            pl.BlockSpec((1, HIDDEN), fixed),
            pl.BlockSpec((1, HIDDEN), fixed),
            pl.BlockSpec((HIDDEN, HIDDEN), fixed),
            pl.BlockSpec((1, HIDDEN), fixed),
            pl.BlockSpec((HIDDEN, HEADS), fixed),
            pl.BlockSpec((1, NUM_RADIAL), fixed),
            pl.BlockSpec((1, HEADS), fixed),
        ],
        out_specs=pl.BlockSpec((BLK, HEADS), row),
        out_shape=jax.ShapeDtypeStruct((P, HEADS), jnp.float32),
    )(g1, g2, cd4, aqt, akt, art, ad, ab1, aw2t, ab2, aw3t, cent, ab3)


D1 = 128
D2 = 128
AGGW = 136


def _agg_body(ex_ref, g2_ref, gg_ref, cd_ref, zinv_ref, p0_ref, agg_ref):
    @pl.when(pl.program_id(0) == 0)
    def _():
        agg_ref[...] = jnp.zeros_like(agg_ref)

    p0row = p0_ref[...].reshape(1, BLK)
    rows = jax.lax.broadcasted_iota(jnp.int32, (E, 1), 0)
    onehot_t = (rows == p0row).astype(jnp.bfloat16)

    ex = ex_ref[...]
    zinv = zinv_ref[...]
    zh = zinv.astype(jnp.bfloat16)
    zl = (zinv - zh.astype(jnp.float32)).astype(jnp.bfloat16)
    dn = (((0,), (0,)), ((), ()))
    zb = (jax.lax.dot_general(onehot_t, zh, dn,
                              preferred_element_type=jnp.float32)
          + jax.lax.dot_general(onehot_t, zl, dn,
                                preferred_element_type=jnp.float32))
    attn = ex * zb
    ve, vo = _unpack_pair(g2_ref[:, HIDDEN // 2:HIDDEN])
    attnx = jnp.broadcast_to(attn[:, :, None],
                             (BLK, HEADS, HEAD_DIM // 2)).reshape(BLK, 64)
    w = jnp.sum(attn * gg_ref[...], axis=-1, keepdims=True)
    payload = jnp.concatenate(
        [ve * attnx, vo * attnx, w * cd_ref[...],
         jnp.zeros((BLK, AGGW - 132), jnp.float32)], axis=1)
    ph = payload.astype(jnp.bfloat16)
    pl_ = (payload - ph.astype(jnp.float32)).astype(jnp.bfloat16)
    dn2 = (((1,), (0,)), ((), ()))
    part = (jax.lax.dot_general(onehot_t, ph, dn2,
                                preferred_element_type=jnp.float32)
            + jax.lax.dot_general(onehot_t, pl_, dn2,
                                  preferred_element_type=jnp.float32))
    agg_ref[...] += part


def _agg_scatter(ex, g2, gg, cd4, zinv, p0_3d):
    nblk = P // BLK
    row = lambda i: (i, 0)
    fixed = lambda i: (0, 0)
    return pl.pallas_call(
        _agg_body,
        grid=(nblk,),
        in_specs=[
            pl.BlockSpec((BLK, HEADS), row),
            pl.BlockSpec((BLK, D2), row),
            pl.BlockSpec((BLK, HEADS), row),
            pl.BlockSpec((BLK, 4), row),
            pl.BlockSpec((E, HEADS), fixed),
            pl.BlockSpec((1, 1, BLK), lambda i: (i, 0, 0)),
        ],
        out_specs=pl.BlockSpec((E, AGGW), fixed),
        out_shape=jax.ShapeDtypeStruct((E, AGGW), jnp.float32),
    )(ex, g2, gg, cd4, zinv, p0_3d)


def _build_pairs(edge_coords):
    diff = edge_coords[:, None, :] - edge_coords[None, :, :]
    d2 = jnp.sum(diff * diff, axis=-1)
    bits = jax.lax.bitcast_convert_type(d2, jnp.int32)

    def step(c, _):
        lo, hi = c
        mid = lo + ((hi - lo) >> 1)
        cnt = jnp.sum((bits <= mid[:, None]).astype(jnp.int32), axis=1)
        ge = cnt >= TOP_K
        return (jnp.where(ge, lo, mid + 1), jnp.where(ge, mid, hi)), 0.0

    init = (jnp.zeros((E,), jnp.int32),
            jnp.full((E,), jnp.int32(0x7F7FFFFF)))
    (lo, hi), _ = jax.lax.scan(step, init, None, length=31)
    tb = hi
    mask = bits <= jnp.maximum(tb[:, None], tb[None, :])
    p0, p1 = jnp.nonzero(mask, size=P, fill_value=E)
    return p0, p1


def kernel(edge_features, edge_coords, Wq, Wk, Wv, aw1, ab1, aw2, ab2, aw3,
           ab3, gw1, gb1, gw2, gb2, ow, ob, ln_g, ln_b):
    p0, p1 = _build_pairs(jax.lax.stop_gradient(edge_coords))

    q = edge_features @ Wq.T
    k = edge_features @ Wk.T
    v = edge_features @ Wv.T

    vh = v.reshape(E, HEADS, HEAD_DIM)
    g1 = _silu(jnp.einsum('ehd,od->eho', vh, gw1) + gb1)
    gate = jax.nn.sigmoid(jnp.einsum('eho,xo->ehx', g1, gw2)[..., 0] + gb2[0])

    def pack2(x):
        b = jax.lax.bitcast_convert_type(x.astype(jnp.bfloat16), jnp.uint16)
        w = (b[:, 1::2].astype(jnp.uint32) << 16) | b[:, 0::2].astype(jnp.uint32)
        return jax.lax.bitcast_convert_type(w, jnp.float32)

    t1 = jnp.zeros((E + 8, D1), jnp.float32).at[:E, :HIDDEN // 2].set(pack2(q))
    t2 = jnp.zeros((E + 8, D2), jnp.float32)
    t2 = (t2.at[:E, :HIDDEN // 2].set(pack2(k))
            .at[:E, HIDDEN // 2:HIDDEN].set(pack2(v)))
    g1 = t1[p0]
    g2 = t2[p1]

    gg = gate[p1]
    cd = edge_coords[p0] - edge_coords[p1]
    cd4 = jnp.pad(cd, ((0, 0), (0, 1)))

    perm = jnp.array([2 * i for i in range(HEAD_DIM // 2)]
                     + [2 * i + 1 for i in range(HEAD_DIM // 2)])
    aqt = aw1[:, :HEAD_DIM].T[perm]
    akt = aw1[:, HEAD_DIM:2 * HEAD_DIM].T[perm]
    art = aw1[:, 2 * HEAD_DIM:2 * HEAD_DIM + NUM_RADIAL].T
    ad = aw1[:, -1][None, :]
    cent = jnp.linspace(0.0, CUTOFF, NUM_RADIAL)[None, :]

    ex = _pair_scores(g1, g2, cd4, aqt, akt, art, ad, ab1[None, :],
                      aw2.T, ab2[None, :], aw3.T, cent, ab3[None, :])

    z = jax.ops.segment_sum(ex, p0, num_segments=E)
    zinv = 1.0 / (z + 1e-16)
    p0_3d = p0.astype(jnp.int32).reshape(P // BLK, 1, BLK)
    acc = _agg_scatter(ex, g2, gg, cd4, zinv, p0_3d)
    agg = jnp.stack([acc[:, :64], acc[:, 64:128]], axis=-1).reshape(E, HIDDEN)
    cu = acc[:, 128:131]
    updated_coords = edge_coords + cu / HEADS

    x = edge_features + agg @ ow.T + ob
    mu = jnp.mean(x, axis=-1, keepdims=True)
    var = jnp.mean((x - mu) ** 2, axis=-1, keepdims=True)
    normed = (x - mu) / jnp.sqrt(var + 1e-5) * ln_g + ln_b
    return normed, updated_coords

# --- scband reference (transcript-rebuilt; emitter-appended) ---
"""Pipeline reference for scband-memory-efficient-edge-attention-43499428774425 (READ-ONLY COPY).

The authoritative reference and input builder live on the scoring server;
editing this copy changes nothing except your own understanding.
"""

import jax, jax.numpy as jnp
import numpy as np

E = 2048
HIDDEN = 128
HEADS = 8
HEAD_DIM = HIDDEN // HEADS
NUM_RADIAL = 64
CUTOFF = 10.0
TOP_K = 32


def silu(x):
    return x * jax.nn.sigmoid(x)


def rbf(d):
    centers = jnp.linspace(0.0, CUTOFF, NUM_RADIAL)
    gamma = (NUM_RADIAL / CUTOFF) ** 2
    return jnp.exp(-gamma * (d[:, None] - centers[None, :]) ** 2)


def scatter_softmax(scores, idx, n):
    mx = jax.ops.segment_max(scores, idx, num_segments=n)
    mx = jnp.where(jnp.isfinite(mx), mx, 0.0)
    ex = jnp.exp(scores - mx[idx])
    z = jax.ops.segment_sum(ex, idx, num_segments=n)
    return ex / (z[idx] + 1e-16)


def setup_inputs(seed: int = 0) -> dict:
    key = jax.random.key(seed)
    ks = jax.random.split(key, 24)
    sc = 0.05
    IN = HEAD_DIM * 2 + NUM_RADIAL + 1
    d = {}
    d['edge_features'] = jax.random.normal(ks[0], (E, HIDDEN), dtype=jnp.float32)
    d['edge_coords'] = jax.random.normal(ks[1], (E, 3), dtype=jnp.float32)
    d['Wq'] = jax.random.normal(ks[2], (HIDDEN, HIDDEN), dtype=jnp.float32) * sc
    d['Wk'] = jax.random.normal(ks[3], (HIDDEN, HIDDEN), dtype=jnp.float32) * sc
    d['Wv'] = jax.random.normal(ks[4], (HIDDEN, HIDDEN), dtype=jnp.float32) * sc
    d['aw1'] = jax.random.normal(ks[5], (HIDDEN, IN), dtype=jnp.float32) * sc
    d['ab1'] = jnp.zeros((HIDDEN,), dtype=jnp.float32)
    d['aw2'] = jax.random.normal(ks[6], (HIDDEN, HIDDEN), dtype=jnp.float32) * sc
    d['ab2'] = jnp.zeros((HIDDEN,), dtype=jnp.float32)
    d['aw3'] = jax.random.normal(ks[7], (HEADS, HIDDEN), dtype=jnp.float32) * sc
    d['ab3'] = jnp.zeros((HEADS,), dtype=jnp.float32)
    d['gw1'] = jax.random.normal(ks[8], (HIDDEN, HEAD_DIM), dtype=jnp.float32) * sc
    d['gb1'] = jnp.zeros((HIDDEN,), dtype=jnp.float32)
    d['gw2'] = jax.random.normal(ks[9], (1, HIDDEN), dtype=jnp.float32) * sc
    d['gb2'] = jnp.zeros((1,), dtype=jnp.float32)
    d['ow'] = jax.random.normal(ks[10], (HIDDEN, HIDDEN), dtype=jnp.float32) * sc
    d['ob'] = jnp.zeros((HIDDEN,), dtype=jnp.float32)
    d['ln_g'] = jnp.ones((HIDDEN,), dtype=jnp.float32)
    d['ln_b'] = jnp.zeros((HIDDEN,), dtype=jnp.float32)
    return d


def build_pairs(edge_coords):
    # KNN mask over edges (torch _build_knn_mask): dense E x E distances, top_k smallest, symmetrized
    diff = edge_coords[:, None, :] - edge_coords[None, :, :]
    dist = jnp.sqrt(jnp.sum(diff * diff, axis=-1))
    _, idx = jax.lax.top_k(-dist, TOP_K)
    mask = jnp.zeros((E, E), dtype=bool).at[jnp.arange(E)[:, None], idx].set(True)
    mask = mask | mask.T
    p0, p1 = jnp.nonzero(mask, size=2 * E * TOP_K, fill_value=E)
    return p0, p1


def _forward(edge_features, edge_coords, Wq, Wk, Wv, aw1, ab1, aw2, ab2, aw3, ab3, gw1, gb1, gw2, gb2, ow, ob, ln_g, ln_b, p0, p1):
    q = (edge_features @ Wq.T).reshape(E, HEADS, HEAD_DIM)
    k = (edge_features @ Wk.T).reshape(E, HEADS, HEAD_DIM)
    v = (edge_features @ Wv.T).reshape(E, HEADS, HEAD_DIM)
    coord_diff = edge_coords[p0] - edge_coords[p1]
    dist = jnp.sqrt(jnp.sum(coord_diff * coord_diff, axis=-1) + 1e-12)
    rf = rbf(dist)
    feats = []
    updated_coords = edge_coords
    for h in range(HEADS):
        qp = q[:, h, :][p0]
        kp = k[:, h, :][p1]
        vp = v[:, h, :][p1]
        dp = jnp.sum(qp * kp, axis=-1)
        ai = jnp.concatenate([qp, kp, rf, dp[:, None]], axis=-1)
        h1 = silu(ai @ aw1.T + ab1)
        h2 = silu(h1 @ aw2.T + ab2)
        scores = (h2 @ aw3.T + ab3)[:, h]
        attn = scatter_softmax(scores, p0, E)
        agg = jax.ops.segment_sum(attn[:, None] * vp, p0, num_segments=E)
        feats.append(agg)
        g1 = silu(vp @ gw1.T + gb1)
        gates = jax.nn.sigmoid(g1 @ gw2.T + gb2)
        cu = jax.ops.segment_sum(attn[:, None] * gates * coord_diff, p0, num_segments=E)
        updated_coords = updated_coords + cu / HEADS
    uf = jnp.concatenate(feats, axis=-1)
    x = edge_features + (uf @ ow.T + ob)
    mu = jnp.mean(x, axis=-1, keepdims=True)
    var = jnp.mean((x - mu) ** 2, axis=-1, keepdims=True)
    normed = (x - mu) / jnp.sqrt(var + 1e-5) * ln_g + ln_b
    return normed, updated_coords


def reference(edge_features, edge_coords, Wq, Wk, Wv, aw1, ab1, aw2, ab2, aw3, ab3, gw1, gb1, gw2, gb2, ow, ob, ln_g, ln_b):
    p0, p1 = build_pairs(jax.lax.stop_gradient(edge_coords))
    return _forward(edge_features, edge_coords, Wq, Wk, Wv, aw1, ab1, aw2, ab2, aw3, ab3, gw1, gb1, gw2, gb2, ow, ob, ln_g, ln_b, p0, p1)

if __name__ == "__main__":
    import jax
    _d = setup_inputs()
    print(jax.jit(kernel)(*tuple(_d.values())))

</pallas_src>

<mosaic_0001>
module attributes {stable_mosaic.version = 14 : i64} {
  func.func @_pair_mlp_body(%arg0: i32, %arg1: memref<2048x128xf32, #tpu.memory_space<vmem>>, %arg2: memref<2048x128xf32, #tpu.memory_space<vmem>>, %arg3: memref<2048x4xf32, #tpu.memory_space<vmem>>, %arg4: memref<16x128xf32, #tpu.memory_space<vmem>>, %arg5: memref<16x128xf32, #tpu.memory_space<vmem>>, %arg6: memref<64x128xf32, #tpu.memory_space<vmem>>, %arg7: memref<1x128xf32, #tpu.memory_space<vmem>>, %arg8: memref<1x128xf32, #tpu.memory_space<vmem>>, %arg9: memref<128x128xf32, #tpu.memory_space<vmem>>, %arg10: memref<1x128xf32, #tpu.memory_space<vmem>>, %arg11: memref<128x8xf32, #tpu.memory_space<vmem>>, %arg12: memref<1x64xf32, #tpu.memory_space<vmem>>, %arg13: memref<1x8xf32, #tpu.memory_space<vmem>>, %arg14: memref<2048x8xf32, #tpu.memory_space<vmem>>) attributes {dimension_semantics = [#tpu.dimension_semantics<arbitrary>], iteration_bounds = array<i64: 64>, scalar_prefetch = 0 : i64, scratch_operands = 0 : i64, tpu.core_type = #tpu.core_type<tc>, window_params = [{transform_indices = @transform_0, window_bounds = array<i64: 2048, 128>}, {transform_indices = @transform_1, window_bounds = array<i64: 2048, 128>}, {transform_indices = @transform_2, window_bounds = array<i64: 2048, 4>}, {pipeline_mode = #tpu.pipeline_mode<synchronous>, transform_indices = @transform_3, window_bounds = array<i64: 16, 128>}, {pipeline_mode = #tpu.pipeline_mode<synchronous>, transform_indices = @transform_4, window_bounds = array<i64: 16, 128>}, {pipeline_mode = #tpu.pipeline_mode<synchronous>, transform_indices = @transform_5, window_bounds = array<i64: 64, 128>}, {pipeline_mode = #tpu.pipeline_mode<synchronous>, transform_indices = @transform_6, window_bounds = array<i64: 1, 128>}, {pipeline_mode = #tpu.pipeline_mode<synchronous>, transform_indices = @transform_7, window_bounds = array<i64: 1, 128>}, {pipeline_mode = #tpu.pipeline_mode<synchronous>, transform_indices = @transform_8, window_bounds = array<i64: 128, 128>}, {pipeline_mode = #tpu.pipeline_mode<synchronous>, transform_indices = @transform_9, window_bounds = array<i64: 1, 128>}, {pipeline_mode = #tpu.pipeline_mode<synchronous>, transform_indices = @transform_10, window_bounds = array<i64: 128, 8>}, {pipeline_mode = #tpu.pipeline_mode<synchronous>, transform_indices = @transform_11, window_bounds = array<i64: 1, 64>}, {pipeline_mode = #tpu.pipeline_mode<synchronous>, transform_indices = @transform_12, window_bounds = array<i64: 1, 8>}, {transform_indices = @transform_13, window_bounds = array<i64: 2048, 8>}]} {
    %get3A = arith.constant 0 : index
    %get3A_0 = arith.constant 0 : index
    %get3A_1 = vector.load %arg1[%get3A, %get3A_0] : memref<2048x128xf32, #tpu.memory_space<vmem>>, vector<2048x64xf32>
    %bitcast_convert_type3A = tpu.bitcast %get3A_1 : vector<2048x64xf32> -> vector<2048x64xi32>
    %shift_left3A = arith.constant 16 : i32
    %shift_left3A_2 = vector.broadcast %shift_left3A : i32 to vector<2048x64xi32>
    %shift_left3A_3 = arith.shli %bitcast_convert_type3A, %shift_left3A_2 : vector<2048x64xi32>
    %bitcast_convert_type3A_4 = tpu.bitcast %shift_left3A_3 : vector<2048x64xi32> -> vector<2048x64xf32>
    %and3A = arith.constant -65536 : i32
    %and3A_5 = vector.broadcast %and3A : i32 to vector<2048x64xi32>
    %and3A_6 = arith.andi %bitcast_convert_type3A, %and3A_5 : vector<2048x64xi32>
    %bitcast_convert_type3A_7 = tpu.bitcast %and3A_6 : vector<2048x64xi32> -> vector<2048x64xf32>
    %get3A_8 = arith.constant 0 : index
    %get3A_9 = arith.constant 0 : index
    %get3A_10 = vector.load %arg2[%get3A_8, %get3A_9] : memref<2048x128xf32, #tpu.memory_space<vmem>>, vector<2048x64xf32>
    %bitcast_convert_type3A_11 = tpu.bitcast %get3A_10 : vector<2048x64xf32> -> vector<2048x64xi32>
    %shift_left3A_12 = arith.constant 16 : i32
    %shift_left3A_13 = vector.broadcast %shift_left3A_12 : i32 to vector<2048x64xi32>
    %shift_left3A_14 = arith.shli %bitcast_convert_type3A_11, %shift_left3A_13 : vector<2048x64xi32>
    %bitcast_convert_type3A_15 = tpu.bitcast %shift_left3A_14 : vector<2048x64xi32> -> vector<2048x64xf32>
    %and3A_16 = arith.constant -65536 : i32
    %and3A_17 = vector.broadcast %and3A_16 : i32 to vector<2048x64xi32>
    %and3A_18 = arith.andi %bitcast_convert_type3A_11, %and3A_17 : vector<2048x64xi32>
    %bitcast_convert_type3A_19 = tpu.bitcast %and3A_18 : vector<2048x64xi32> -> vector<2048x64xf32>
    %get3A_20 = arith.constant 0 : index
    %get3A_21 = arith.constant 0 : index
    %get3A_22 = vector.load %arg3[%get3A_20, %get3A_21] : memref<2048x4xf32, #tpu.memory_space<vmem>>, vector<2048x4xf32>
    %mul3A = arith.mulf %get3A_22, %get3A_22 : vector<2048x4xf32>
    %reduce_sum3A = arith.constant dense<0.000000e+00> : vector<2048xf32>
    %reduce_sum3A_23 = vector.multi_reduction <add>, %mul3A, %reduce_sum3A [1] : vector<2048x4xf32> to vector<2048xf32>
    %broadcast_in_dim3A = vector.shape_cast %reduce_sum3A_23 : vector<2048xf32> to vector<2048x1xf32>
    %add3A = arith.constant 9.99999996E-13 : f32
    %add3A_24 = vector.broadcast %add3A : f32 to vector<2048x1xf32>
    %add3A_25 = arith.addf %broadcast_in_dim3A, %add3A_24 : vector<2048x1xf32>
    %sqrt3A = math.sqrt %add3A_25 : vector<2048x1xf32>
    %get3A_26 = arith.constant 0 : index
    %get3A_27 = arith.constant 0 : index
    %get3A_28 = vector.load %arg12[%get3A_26, %get3A_27] : memref<1x64xf32, #tpu.memory_space<vmem>>, vector<1x64xf32>
    %sub3A = vector.broadcast %sqrt3A : vector<2048x1xf32> to vector<2048x64xf32>
    %sub3A_29 = vector.broadcast %get3A_28 : vector<1x64xf32> to vector<2048x64xf32>
    %sub3A_30 = arith.subf %sub3A, %sub3A_29 : vector<2048x64xf32>
    %integer_pow3A = arith.mulf %sub3A_30, %sub3A_30 : vector<2048x64xf32>
    %mul3A_31 = arith.constant -4.096000e+01 : f32
    %mul3A_32 = vector.broadcast %mul3A_31 : f32 to vector<2048x64xf32>
    %mul3A_33 = arith.mulf %mul3A_32, %integer_pow3A : vector<2048x64xf32>
    %exp3A = math.exp %mul3A_33 : vector<2048x64xf32>
    %get3A_34 = arith.constant 0 : index
    %get3A_35 = arith.constant 0 : index
    %get3A_36 = vector.load %arg6[%get3A_34, %get3A_35] : memref<64x128xf32, #tpu.memory_space<vmem>>, vector<64x128xf32>
    %dot_general3A = arith.constant dense<0.000000e+00> : vector<2048x128xf32>
    %dot_general3A_37 = tpu.matmul %exp3A, %get3A_36, %dot_general3A {dimension_numbers = #tpu.dot_dimension_numbers<[1], [0], [0], [1], [0, 0, 1, 1], [], []>, transpose_lhs_hint = false} : vector<2048x64xf32>, vector<64x128xf32>, vector<2048x128xf32> -> vector<2048x128xf32>
    %get3A_38 = arith.constant 0 : index
    %get3A_39 = arith.constant 0 : index
    %get3A_40 = vector.load %arg8[%get3A_38, %get3A_39] : memref<1x128xf32, #tpu.memory_space<vmem>>, vector<1x128xf32>
    %get3A_41 = arith.constant 0 : index
    %get3A_42 = arith.constant 0 : index
    %get3A_43 = vector.load %arg9[%get3A_41, %get3A_42] : memref<128x128xf32, #tpu.memory_space<vmem>>, vector<128x128xf32>
    %get3A_44 = arith.constant 0 : index
    %get3A_45 = arith.constant 0 : index
    %get3A_46 = vector.load %arg10[%get3A_44, %get3A_45] : memref<1x128xf32, #tpu.memory_space<vmem>>, vector<1x128xf32>
    %get3A_47 = arith.constant 0 : index
    %get3A_48 = arith.constant 0 : index
    %get3A_49 = vector.load %arg11[%get3A_47, %get3A_48] : memref<128x8xf32, #tpu.memory_space<vmem>>, vector<128x8xf32>
    %get3A_50 = arith.constant 0 : index
    %get3A_51 = arith.constant 0 : index
    %get3A_52 = vector.load %arg7[%get3A_50, %get3A_51] : memref<1x128xf32, #tpu.memory_space<vmem>>, vector<1x128xf32>
    %slice3A = vector.extract_strided_slice %bitcast_convert_type3A_4 {offsets = [0, 0], sizes = [2048, 8], strides = [1, 1]} : vector<2048x64xf32> to vector<2048x8xf32>
    %slice3A_53 = vector.extract_strided_slice %bitcast_convert_type3A_7 {offsets = [0, 0], sizes = [2048, 8], strides = [1, 1]} : vector<2048x64xf32> to vector<2048x8xf32>
    %concatenate3A = tpu.concatenate %slice3A, %slice3A_53 in 1 : vector<2048x8xf32>, vector<2048x8xf32> -> vector<2048x16xf32>
    %slice3A_54 = vector.extract_strided_slice %bitcast_convert_type3A_15 {offsets = [0, 0], sizes = [2048, 8], strides = [1, 1]} : vector<2048x64xf32> to vector<2048x8xf32>
    %slice3A_55 = vector.extract_strided_slice %bitcast_convert_type3A_19 {offsets = [0, 0], sizes = [2048, 8], strides = [1, 1]} : vector<2048x64xf32> to vector<2048x8xf32>
    %concatenate3A_56 = tpu.concatenate %slice3A_54, %slice3A_55 in 1 : vector<2048x8xf32>, vector<2048x8xf32> -> vector<2048x16xf32>
    %mul3A_57 = arith.mulf %concatenate3A, %concatenate3A_56 : vector<2048x16xf32>
    %reduce_sum3A_58 = arith.constant dense<0.000000e+00> : vector<2048xf32>
    %reduce_sum3A_59 = vector.multi_reduction <add>, %mul3A_57, %reduce_sum3A_58 [1] : vector<2048x16xf32> to vector<2048xf32>
    %broadcast_in_dim3A_60 = vector.shape_cast %reduce_sum3A_59 : vector<2048xf32> to vector<2048x1xf32>
    %get3A_61 = arith.constant 0 : index
    %get3A_62 = arith.constant 0 : index
    %get3A_63 = vector.load %arg4[%get3A_61, %get3A_62] : memref<16x128xf32, #tpu.memory_space<vmem>>, vector<16x128xf32>
    %dot_general3A_64 = arith.constant dense<0.000000e+00> : vector<2048x128xf32>
    %dot_general3A_65 = tpu.matmul %concatenate3A, %get3A_63, %dot_general3A_64 {dimension_numbers = #tpu.dot_dimension_numbers<[1], [0], [0], [1], [0, 0, 1, 1], [], []>, transpose_lhs_hint = false} : vector<2048x16xf32>, vector<16x128xf32>, vector<2048x128xf32> -> vector<2048x128xf32>
    %get3A_66 = arith.constant 0 : index
    %get3A_67 = arith.constant 0 : index
    %get3A_68 = vector.load %arg5[%get3A_66, %get3A_67] : memref<16x128xf32, #tpu.memory_space<vmem>>, vector<16x128xf32>
    %dot_general3A_69 = arith.constant dense<0.000000e+00> : vector<2048x128xf32>
    %dot_general3A_70 = tpu.matmul %concatenate3A_56, %get3A_68, %dot_general3A_69 {dimension_numbers = #tpu.dot_dimension_numbers<[1], [0], [0], [1], [0, 0, 1, 1], [], []>, transpose_lhs_hint = false} : vector<2048x16xf32>, vector<16x128xf32>, vector<2048x128xf32> -> vector<2048x128xf32>
    %add3A_71 = arith.addf %dot_general3A_65, %dot_general3A_70 : vector<2048x128xf32>
    %add3A_72 = arith.addf %add3A_71, %dot_general3A_37 : vector<2048x128xf32>
    %mul3A_73 = vector.broadcast %broadcast_in_dim3A_60 : vector<2048x1xf32> to vector<2048x128xf32>
    %mul3A_74 = vector.broadcast %get3A_52 : vector<1x128xf32> to vector<2048x128xf32>
    %mul3A_75 = arith.mulf %mul3A_73, %mul3A_74 : vector<2048x128xf32>
    %add3A_76 = arith.addf %add3A_72, %mul3A_75 : vector<2048x128xf32>
    %add3A_77 = vector.broadcast %get3A_40 : vector<1x128xf32> to vector<2048x128xf32>
    %add3A_78 = arith.addf %add3A_76, %add3A_77 : vector<2048x128xf32>
    %logistic3A = arith.negf %add3A_78 : vector<2048x128xf32>
    %logistic3A_79 = math.exp %logistic3A : vector<2048x128xf32>
    %logistic3A_80 = arith.constant 1.000000e+00 : f32
    %logistic3A_81 = vector.broadcast %logistic3A_80 : f32 to vector<2048x128xf32>
    %logistic3A_82 = arith.addf %logistic3A_81, %logistic3A_79 : vector<2048x128xf32>
    %logistic3A_83 = arith.divf %logistic3A_81, %logistic3A_82 : vector<2048x128xf32>
    %mul3A_84 = arith.mulf %add3A_78, %logistic3A_83 : vector<2048x128xf32>
    %dot_general3A_85 = arith.constant dense<0.000000e+00> : vector<2048x128xf32>
    %dot_general3A_86 = tpu.matmul %mul3A_84, %get3A_43, %dot_general3A_85 {dimension_numbers = #tpu.dot_dimension_numbers<[1], [0], [0], [1], [0, 0, 1, 1], [], []>, transpose_lhs_hint = false} : vector<2048x128xf32>, vector<128x128xf32>, vector<2048x128xf32> -> vector<2048x128xf32>
    %add3A_87 = vector.broadcast %get3A_46 : vector<1x128xf32> to vector<2048x128xf32>
    %add3A_88 = arith.addf %dot_general3A_86, %add3A_87 : vector<2048x128xf32>
    %logistic3A_89 = arith.negf %add3A_88 : vector<2048x128xf32>
    %logistic3A_90 = math.exp %logistic3A_89 : vector<2048x128xf32>
    %logistic3A_91 = arith.constant 1.000000e+00 : f32
    %logistic3A_92 = vector.broadcast %logistic3A_91 : f32 to vector<2048x128xf32>
    %logistic3A_93 = arith.addf %logistic3A_92, %logistic3A_90 : vector<2048x128xf32>
    %logistic3A_94 = arith.divf %logistic3A_92, %logistic3A_93 : vector<2048x128xf32>
    %mul3A_95 = arith.mulf %add3A_88, %logistic3A_94 : vector<2048x128xf32>
    %slice3A_96 = vector.extract_strided_slice %get3A_49 {offsets = [0, 0], sizes = [128, 1], strides = [1, 1]} : vector<128x8xf32> to vector<128x1xf32>
    %dot_general3A_97 = arith.constant dense<0.000000e+00> : vector<2048x1xf32>
    %dot_general3A_98 = tpu.matmul %mul3A_95, %slice3A_96, %dot_general3A_97 {dimension_numbers = #tpu.dot_dimension_numbers<[1], [0], [0], [1], [0, 0, 1, 1], [], []>, transpose_lhs_hint = false} : vector<2048x128xf32>, vector<128x1xf32>, vector<2048x1xf32> -> vector<2048x1xf32>
    %get3A_99 = arith.constant 0 : index
    %get3A_100 = arith.constant 0 : index
    %get3A_101 = vector.load %arg13[%get3A_99, %get3A_100] : memref<1x8xf32, #tpu.memory_space<vmem>>, vector<1x1xf32>
    %add3A_102 = vector.broadcast %get3A_101 : vector<1x1xf32> to vector<2048x1xf32>
    %add3A_103 = arith.addf %dot_general3A_98, %add3A_102 : vector<2048x1xf32>
    %exp3A_104 = math.exp %add3A_103 : vector<2048x1xf32>
    %swap3A = arith.constant 0 : index
    %swap3A_105 = arith.constant 0 : index
    %swap3A_106 = vector.load %arg14[%swap3A, %swap3A_105] : memref<2048x8xf32, #tpu.memory_space<vmem>>, vector<2048x1xf32>
    tpu.vector_store %arg14[%swap3A, %swap3A_105], %exp3A_104 {strides = array<i32>} : memref<2048x8xf32, #tpu.memory_space<vmem>>, vector<2048x1xf32>,
    %slice3A_107 = vector.extract_strided_slice %bitcast_convert_type3A_4 {offsets = [0, 8], sizes = [2048, 8], strides = [1, 1]} : vector<2048x64xf32> to vector<2048x8xf32>
    %slice3A_108 = vector.extract_strided_slice %bitcast_convert_type3A_7 {offsets = [0, 8], sizes = [2048, 8], strides = [1, 1]} : vector<2048x64xf32> to vector<2048x8xf32>
    %concatenate3A_109 = tpu.concatenate %slice3A_107, %slice3A_108 in 1 : vector<2048x8xf32>, vector<2048x8xf32> -> vector<2048x16xf32>
    %slice3A_110 = vector.extract_strided_slice %bitcast_convert_type3A_15 {offsets = [0, 8], sizes = [2048, 8], strides = [1, 1]} : vector<2048x64xf32> to vector<2048x8xf32>
    %slice3A_111 = vector.extract_strided_slice %bitcast_convert_type3A_19 {offsets = [0, 8], sizes = [2048, 8], strides = [1, 1]} : vector<2048x64xf32> to vector<2048x8xf32>
    %concatenate3A_112 = tpu.concatenate %slice3A_110, %slice3A_111 in 1 : vector<2048x8xf32>, vector<2048x8xf32> -> vector<2048x16xf32>
    %mul3A_113 = arith.mulf %concatenate3A_109, %concatenate3A_112 : vector<2048x16xf32>
    %reduce_sum3A_114 = arith.constant dense<0.000000e+00> : vector<2048xf32>
    %reduce_sum3A_115 = vector.multi_reduction <add>, %mul3A_113, %reduce_sum3A_114 [1] : vector<2048x16xf32> to vector<2048xf32>
    %broadcast_in_dim3A_116 = vector.shape_cast %reduce_sum3A_115 : vector<2048xf32> to vector<2048x1xf32>
    %get3A_117 = arith.constant 0 : index
    %get3A_118 = arith.constant 0 : index
    %get3A_119 = vector.load %arg4[%get3A_117, %get3A_118] : memref<16x128xf32, #tpu.memory_space<vmem>>, vector<16x128xf32>
    %dot_general3A_120 = arith.constant dense<0.000000e+00> : vector<2048x128xf32>
    %dot_general3A_121 = tpu.matmul %concatenate3A_109, %get3A_119, %dot_general3A_120 {dimension_numbers = #tpu.dot_dimension_numbers<[1], [0], [0], [1], [0, 0, 1, 1], [], []>, transpose_lhs_hint = false} : vector<2048x16xf32>, vector<16x128xf32>, vector<2048x128xf32> -> vector<2048x128xf32>
    %get3A_122 = arith.constant 0 : index
    %get3A_123 = arith.constant 0 : index
    %get3A_124 = vector.load %arg5[%get3A_122, %get3A_123] : memref<16x128xf32, #tpu.memory_space<vmem>>, vector<16x128xf32>
    %dot_general3A_125 = arith.constant dense<0.000000e+00> : vector<2048x128xf32>
    %dot_general3A_126 = tpu.matmul %concatenate3A_112, %get3A_124, %dot_general3A_125 {dimension_numbers = #tpu.dot_dimension_numbers<[1], [0], [0], [1], [0, 0, 1, 1], [], []>, transpose_lhs_hint = false} : vector<2048x16xf32>, vector<16x128xf32>, vector<2048x128xf32> -> vector<2048x128xf32>
    %add3A_127 = arith.addf %dot_general3A_121, %dot_general3A_126 : vector<2048x128xf32>
    %add3A_128 = arith.addf %add3A_127, %dot_general3A_37 : vector<2048x128xf32>
    %mul3A_129 = vector.broadcast %broadcast_in_dim3A_116 : vector<2048x1xf32> to vector<2048x128xf32>
    %mul3A_130 = vector.broadcast %get3A_52 : vector<1x128xf32> to vector<2048x128xf32>
    %mul3A_131 = arith.mulf %mul3A_129, %mul3A_130 : vector<2048x128xf32>
    %add3A_132 = arith.addf %add3A_128, %mul3A_131 : vector<2048x128xf32>
    %add3A_133 = vector.broadcast %get3A_40 : vector<1x128xf32> to vector<2048x128xf32>
    %add3A_134 = arith.addf %add3A_132, %add3A_133 : vector<2048x128xf32>
    %logistic3A_135 = arith.negf %add3A_134 : vector<2048x128xf32>
    %logistic3A_136 = math.exp %logistic3A_135 : vector<2048x128xf32>
    %logistic3A_137 = arith.constant 1.000000e+00 : f32
    %logistic3A_138 = vector.broadcast %logistic3A_137 : f32 to vector<2048x128xf32>
    %logistic3A_139 = arith.addf %logistic3A_138, %logistic3A_136 : vector<2048x128xf32>
    %logistic3A_140 = arith.divf %logistic3A_138, %logistic3A_139 : vector<2048x128xf32>
    %mul3A_141 = arith.mulf %add3A_134, %logistic3A_140 : vector<2048x128xf32>
    %dot_general3A_142 = arith.constant dense<0.000000e+00> : vector<2048x128xf32>
    %dot_general3A_143 = tpu.matmul %mul3A_141, %get3A_43, %dot_general3A_142 {dimension_numbers = #tpu.dot_dimension_numbers<[1], [0], [0], [1], [0, 0, 1, 1], [], []>, transpose_lhs_hint = false} : vector<2048x128xf32>, vector<128x128xf32>, vector<2048x128xf32> -> vector<2048x128xf32>
    %add3A_144 = vector.broadcast %get3A_46 : vector<1x128xf32> to vector<2048x128xf32>
    %add3A_145 = arith.addf %dot_general3A_143, %add3A_144 : vector<2048x128xf32>
    %logistic3A_146 = arith.negf %add3A_145 : vector<2048x128xf32>
    %logistic3A_147 = math.exp %logistic3A_146 : vector<2048x128xf32>
    %logistic3A_148 = arith.constant 1.000000e+00 : f32
    %logistic3A_149 = vector.broadcast %logistic3A_148 : f32 to vector<2048x128xf32>
    %logistic3A_150 = arith.addf %logistic3A_149, %logistic3A_147 : vector<2048x128xf32>
    %logistic3A_151 = arith.divf %logistic3A_149, %logistic3A_150 : vector<2048x128xf32>
    %mul3A_152 = arith.mulf %add3A_145, %logistic3A_151 : vector<2048x128xf32>
    %slice3A_153 = vector.extract_strided_slice %get3A_49 {offsets = [0, 1], sizes = [128, 1], strides = [1, 1]} : vector<128x8xf32> to vector<128x1xf32>
    %dot_general3A_154 = arith.constant dense<0.000000e+00> : vector<2048x1xf32>
    %dot_general3A_155 = tpu.matmul %mul3A_152, %slice3A_153, %dot_general3A_154 {dimension_numbers = #tpu.dot_dimension_numbers<[1], [0], [0], [1], [0, 0, 1, 1], [], []>, transpose_lhs_hint = false} : vector<2048x128xf32>, vector<128x1xf32>, vector<2048x1xf32> -> vector<2048x1xf32>
    %get3A_156 = arith.constant 0 : index
    %get3A_157 = arith.constant 1 : index
    %get3A_158 = vector.load %arg13[%get3A_156, %get3A_157] : memref<1x8xf32, #tpu.memory_space<vmem>>, vector<1x1xf32>
    %add3A_159 = vector.broadcast %get3A_158 : vector<1x1xf32> to vector<2048x1xf32>
    %add3A_160 = arith.addf %dot_general3A_155, %add3A_159 : vector<2048x1xf32>
    %exp3A_161 = math.exp %add3A_160 : vector<2048x1xf32>
    %swap3A_162 = arith.constant 0 : index
    %swap3A_163 = arith.constant 1 : index
    %swap3A_164 = vector.load %arg14[%swap3A_162, %swap3A_163] : memref<2048x8xf32, #tpu.memory_space<vmem>>, vector<2048x1xf32>
    tpu.vector_store %arg14[%swap3A_162, %swap3A_163], %exp3A_161 {strides = array<i32>} : memref<2048x8xf32, #tpu.memory_space<vmem>>, vector<2048x1xf32>,
    %slice3A_165 = vector.extract_strided_slice %bitcast_convert_type3A_4 {offsets = [0, 16], sizes = [2048, 8], strides = [1, 1]} : vector<2048x64xf32> to vector<2048x8xf32>
    %slice3A_166 = vector.extract_strided_slice %bitcast_convert_type3A_7 {offsets = [0, 16], sizes = [2048, 8], strides = [1, 1]} : vector<2048x64xf32> to vector<2048x8xf32>
    %concatenate3A_167 = tpu.concatenate %slice3A_165, %slice3A_166 in 1 : vector<2048x8xf32>, vector<2048x8xf32> -> vector<2048x16xf32>
    %slice3A_168 = vector.extract_strided_slice %bitcast_convert_type3A_15 {offsets = [0, 16], sizes = [2048, 8], strides = [1, 1]} : vector<2048x64xf32> to vector<2048x8xf32>
    %slice3A_169 = vector.extract_strided_slice %bitcast_convert_type3A_19 {offsets = [0, 16], sizes = [2048, 8], strides = [1, 1]} : vector<2048x64xf32> to vector<2048x8xf32>
    %concatenate3A_170 = tpu.concatenate %slice3A_168, %slice3A_169 in 1 : vector<2048x8xf32>, vector<2048x8xf32> -> vector<2048x16xf32>
    %mul3A_171 = arith.mulf %concatenate3A_167, %concatenate3A_170 : vector<2048x16xf32>
    %reduce_sum3A_172 = arith.constant dense<0.000000e+00> : vector<2048xf32>
    %reduce_sum3A_173 = vector.multi_reduction <add>, %mul3A_171, %reduce_sum3A_172 [1] : vector<2048x16xf32> to vector<2048xf32>
    %broadcast_in_dim3A_174 = vector.shape_cast %reduce_sum3A_173 : vector<2048xf32> to vector<2048x1xf32>
    %get3A_175 = arith.constant 0 : index
    %get3A_176 = arith.constant 0 : index
    %get3A_177 = vector.load %arg4[%get3A_175, %get3A_176] : memref<16x128xf32, #tpu.memory_space<vmem>>, vector<16x128xf32>
    %dot_general3A_178 = arith.constant dense<0.000000e+00> : vector<2048x128xf32>
    %dot_general3A_179 = tpu.matmul %concatenate3A_167, %get3A_177, %dot_general3A_178 {dimension_numbers = #tpu.dot_dimension_numbers<[1], [0], [0], [1], [0, 0, 1, 1], [], []>, transpose_lhs_hint = false} : vector<2048x16xf32>, vector<16x128xf32>, vector<2048x128xf32> -> vector<2048x128xf32>
    %get3A_180 = arith.constant 0 : index
    %get3A_181 = arith.constant 0 : index
    %get3A_182 = vector.load %arg5[%get3A_180, %get3A_181] : memref<16x128xf32, #tpu.memory_space<vmem>>, vector<16x128xf32>
    %dot_general3A_183 = arith.constant dense<0.000000e+00> : vector<2048x128xf32>
    %dot_general3A_184 = tpu.matmul %concatenate3A_170, %get3A_182, %dot_general3A_183 {dimension_numbers = #tpu.dot_dimension_numbers<[1], [0], [0], [1], [0, 0, 1, 1], [], []>, transpose_lhs_hint = false} : vector<2048x16xf32>, vector<16x128xf32>, vector<2048x128xf32> -> vector<2048x128xf32>
    %add3A_185 = arith.addf %dot_general3A_179, %dot_general3A_184 : vector<2048x128xf32>
    %add3A_186 = arith.addf %add3A_185, %dot_general3A_37 : vector<2048x128xf32>
    %mul3A_187 = vector.broadcast %broadcast_in_dim3A_174 : vector<2048x1xf32> to vector<2048x128xf32>
    %mul3A_188 = vector.broadcast %get3A_52 : vector<1x128xf32> to vector<2048x128xf32>
    %mul3A_189 = arith.mulf %mul3A_187, %mul3A_188 : vector<2048x128xf32>
    %add3A_190 = arith.addf %add3A_186, %mul3A_189 : vector<2048x128xf32>
    %add3A_191 = vector.broadcast %get3A_40 : vector<1x128xf32> to vector<2048x128xf32>
    %add3A_192 = arith.addf %add3A_190, %add3A_191 : vector<2048x128xf32>
    %logistic3A_193 = arith.negf %add3A_192 : vector<2048x128xf32>
    %logistic3A_194 = math.exp %logistic3A_193 : vector<2048x128xf32>
    %logistic3A_195 = arith.constant 1.000000e+00 : f32
    %logistic3A_196 = vector.broadcast %logistic3A_195 : f32 to vector<2048x128xf32>
    %logistic3A_197 = arith.addf %logistic3A_196, %logistic3A_194 : vector<2048x128xf32>
    %logistic3A_198 = arith.divf %logistic3A_196, %logistic3A_197 : vector<2048x128xf32>
    %mul3A_199 = arith.mulf %add3A_192, %logistic3A_198 : vector<2048x128xf32>
    %dot_general3A_200 = arith.constant dense<0.000000e+00> : vector<2048x128xf32>
    %dot_general3A_201 = tpu.matmul %mul3A_199, %get3A_43, %dot_general3A_200 {dimension_numbers = #tpu.dot_dimension_numbers<[1], [0], [0], [1], [0, 0, 1, 1], [], []>, transpose_lhs_hint = false} : vector<2048x128xf32>, vector<128x128xf32>, vector<2048x128xf32> -> vector<2048x128xf32>
    %add3A_202 = vector.broadcast %get3A_46 : vector<1x128xf32> to vector<2048x128xf32>
    %add3A_203 = arith.addf %dot_general3A_201, %add3A_202 : vector<2048x128xf32>
    %logistic3A_204 = arith.negf %add3A_203 : vector<2048x128xf32>
    %logistic3A_205 = math.exp %logistic3A_204 : vector<2048x128xf32>
    %logistic3A_206 = arith.constant 1.000000e+00 : f32
    %logistic3A_207 = vector.broadcast %logistic3A_206 : f32 to vector<2048x128xf32>
    %logistic3A_208 = arith.addf %logistic3A_207, %logistic3A_205 : vector<2048x128xf32>
    %logistic3A_209 = arith.divf %logistic3A_207, %logistic3A_208 : vector<2048x128xf32>
    %mul3A_210 = arith.mulf %add3A_203, %logistic3A_209 : vector<2048x128xf32>
    %slice3A_211 = vector.extract_strided_slice %get3A_49 {offsets = [0, 2], sizes = [128, 1], strides = [1, 1]} : vector<128x8xf32> to vector<128x1xf32>
    %dot_general3A_212 = arith.constant dense<0.000000e+00> : vector<2048x1xf32>
    %dot_general3A_213 = tpu.matmul %mul3A_210, %slice3A_211, %dot_general3A_212 {dimension_numbers = #tpu.dot_dimension_numbers<[1], [0], [0], [1], [0, 0, 1, 1], [], []>, transpose_lhs_hint = false} : vector<2048x128xf32>, vector<128x1xf32>, vector<2048x1xf32> -> vector<2048x1xf32>
    %get3A_214 = arith.constant 0 : index
    %get3A_215 = arith.constant 2 : index
    %get3A_216 = vector.load %arg13[%get3A_214, %get3A_215] : memref<1x8xf32, #tpu.memory_space<vmem>>, vector<1x1xf32>
    %add3A_217 = vector.broadcast %get3A_216 : vector<1x1xf32> to vector<2048x1xf32>
    %add3A_218 = arith.addf %dot_general3A_213, %add3A_217 : vector<2048x1xf32>
    %exp3A_219 = math.exp %add3A_218 : vector<2048x1xf32>
    %swap3A_220 = arith.constant 0 : index
    %swap3A_221 = arith.constant 2 : index
    %swap3A_222 = vector.load %arg14[%swap3A_220, %swap3A_221] : memref<2048x8xf32, #tpu.memory_space<vmem>>, vector<2048x1xf32>
    tpu.vector_store %arg14[%swap3A_220, %swap3A_221], %exp3A_219 {strides = array<i32>} : memref<2048x8xf32, #tpu.memory_space<vmem>>, vector<2048x1xf32>,
    %slice3A_223 = vector.extract_strided_slice %bitcast_convert_type3A_4 {offsets = [0, 24], sizes = [2048, 8], strides = [1, 1]} : vector<2048x64xf32> to vector<2048x8xf32>
    %slice3A_224 = vector.extract_strided_slice %bitcast_convert_type3A_7 {offsets = [0, 24], sizes = [2048, 8], strides = [1, 1]} : vector<2048x64xf32> to vector<2048x8xf32>
    %concatenate3A_225 = tpu.concatenate %slice3A_223, %slice3A_224 in 1 : vector<2048x8xf32>, vector<2048x8xf32> -> vector<2048x16xf32>
    %slice3A_226 = vector.extract_strided_slice %bitcast_convert_type3A_15 {offsets = [0, 24], sizes = [2048, 8], strides = [1, 1]} : vector<2048x64xf32> to vector<2048x8xf32>
    %slice3A_227 = vector.extract_strided_slice %bitcast_convert_type3A_19 {offsets = [0, 24], sizes = [2048, 8], strides = [1, 1]} : vector<2048x64xf32> to vector<2048x8xf32>
    %concatenate3A_228 = tpu.concatenate %slice3A_226, %slice3A_227 in 1 : vector<2048x8xf32>, vector<2048x8xf32> -> vector<2048x16xf32>
    %mul3A_229 = arith.mulf %concatenate3A_225, %concatenate3A_228 : vector<2048x16xf32>
    %reduce_sum3A_230 = arith.constant dense<0.000000e+00> : vector<2048xf32>
    %reduce_sum3A_231 = vector.multi_reduction <add>, %mul3A_229, %reduce_sum3A_230 [1] : vector<2048x16xf32> to vector<2048xf32>
    %broadcast_in_dim3A_232 = vector.shape_cast %reduce_sum3A_231 : vector<2048xf32> to vector<2048x1xf32>
    %get3A_233 = arith.constant 0 : index
    %get3A_234 = arith.constant 0 : index
    %get3A_235 = vector.load %arg4[%get3A_233, %get3A_234] : memref<16x128xf32, #tpu.memory_space<vmem>>, vector<16x128xf32>
    %dot_general3A_236 = arith.constant dense<0.000000e+00> : vector<2048x128xf32>
    %dot_general3A_237 = tpu.matmul %concatenate3A_225, %get3A_235, %dot_general3A_236 {dimension_numbers = #tpu.dot_dimension_numbers<[1], [0], [0], [1], [0, 0, 1, 1], [], []>, transpose_lhs_hint = false} : vector<2048x16xf32>, vector<16x128xf32>, vector<2048x128xf32> -> vector<2048x128xf32>
    %get3A_238 = arith.constant 0 : index
    %get3A_239 = arith.constant 0 : index
    %get3A_240 = vector.load %arg5[%get3A_238, %get3A_239] : memref<16x128xf32, #tpu.memory_space<vmem>>, vector<16x128xf32>
    %dot_general3A_241 = arith.constant dense<0.000000e+00> : vector<2048x128xf32>
    %dot_general3A_242 = tpu.matmul %concatenate3A_228, %get3A_240, %dot_general3A_241 {dimension_numbers = #tpu.dot_dimension_numbers<[1], [0], [0], [1], [0, 0, 1, 1], [], []>, transpose_lhs_hint = false} : vector<2048x16xf32>, vector<16x128xf32>, vector<2048x128xf32> -> vector<2048x128xf32>
    %add3A_243 = arith.addf %dot_general3A_237, %dot_general3A_242 : vector<2048x128xf32>
    %add3A_244 = arith.addf %add3A_243, %dot_general3A_37 : vector<2048x128xf32>
    %mul3A_245 = vector.broadcast %broadcast_in_dim3A_232 : vector<2048x1xf32> to vector<2048x128xf32>
    %mul3A_246 = vector.broadcast %get3A_52 : vector<1x128xf32> to vector<2048x128xf32>
    %mul3A_247 = arith.mulf %mul3A_245, %mul3A_246 : vector<2048x128xf32>
    %add3A_248 = arith.addf %add3A_244, %mul3A_247 : vector<2048x128xf32>
    %add3A_249 = vector.broadcast %get3A_40 : vector<1x128xf32> to vector<2048x128xf32>
    %add3A_250 = arith.addf %add3A_248, %add3A_249 : vector<2048x128xf32>
    %logistic3A_251 = arith.negf %add3A_250 : vector<2048x128xf32>
    %logistic3A_252 = math.exp %logistic3A_251 : vector<2048x128xf32>
    %logistic3A_253 = arith.constant 1.000000e+00 : f32
    %logistic3A_254 = vector.broadcast %logistic3A_253 : f32 to vector<2048x128xf32>
    %logistic3A_255 = arith.addf %logistic3A_254, %logistic3A_252 : vector<2048x128xf32>
    %logistic3A_256 = arith.divf %logistic3A_254, %logistic3A_255 : vector<2048x128xf32>
    %mul3A_257 = arith.mulf %add3A_250, %logistic3A_256 : vector<2048x128xf32>
    %dot_general3A_258 = arith.constant dense<0.000000e+00> : vector<2048x128xf32>
    %dot_general3A_259 = tpu.matmul %mul3A_257, %get3A_43, %dot_general3A_258 {dimension_numbers = #tpu.dot_dimension_numbers<[1], [0], [0], [1], [0, 0, 1, 1], [], []>, transpose_lhs_hint = false} : vector<2048x128xf32>, vector<128x128xf32>, vector<2048x128xf32> -> vector<2048x128xf32>
    %add3A_260 = vector.broadcast %get3A_46 : vector<1x128xf32> to vector<2048x128xf32>
    %add3A_261 = arith.addf %dot_general3A_259, %add3A_260 : vector<2048x128xf32>
    %logistic3A_262 = arith.negf %add3A_261 : vector<2048x128xf32>
    %logistic3A_263 = math.exp %logistic3A_262 : vector<2048x128xf32>
    %logistic3A_264 = arith.constant 1.000000e+00 : f32
    %logistic3A_265 = vector.broadcast %logistic3A_264 : f32 to vector<2048x128xf32>
    %logistic3A_266 = arith.addf %logistic3A_265, %logistic3A_263 : vector<2048x128xf32>
    %logistic3A_267 = arith.divf %logistic3A_265, %logistic3A_266 : vector<2048x128xf32>
    %mul3A_268 = arith.mulf %add3A_261, %logistic3A_267 : vector<2048x128xf32>
    %slice3A_269 = vector.extract_strided_slice %get3A_49 {offsets = [0, 3], sizes = [128, 1], strides = [1, 1]} : vector<128x8xf32> to vector<128x1xf32>
    %dot_general3A_270 = arith.constant dense<0.000000e+00> : vector<2048x1xf32>
    %dot_general3A_271 = tpu.matmul %mul3A_268, %slice3A_269, %dot_general3A_270 {dimension_numbers = #tpu.dot_dimension_numbers<[1], [0], [0], [1], [0, 0, 1, 1], [], []>, transpose_lhs_hint = false} : vector<2048x128xf32>, vector<128x1xf32>, vector<2048x1xf32> -> vector<2048x1xf32>
    %get3A_272 = arith.constant 0 : index
    %get3A_273 = arith.constant 3 : index
    %get3A_274 = vector.load %arg13[%get3A_272, %get3A_273] : memref<1x8xf32, #tpu.memory_space<vmem>>, vector<1x1xf32>
    %add3A_275 = vector.broadcast %get3A_274 : vector<1x1xf32> to vector<2048x1xf32>
    %add3A_276 = arith.addf %dot_general3A_271, %add3A_275 : vector<2048x1xf32>
    %exp3A_277 = math.exp %add3A_276 : vector<2048x1xf32>
    %swap3A_278 = arith.constant 0 : index
    %swap3A_279 = arith.constant 3 : index
    %swap3A_280 = vector.load %arg14[%swap3A_278, %swap3A_279] : memref<2048x8xf32, #tpu.memory_space<vmem>>, vector<2048x1xf32>
    tpu.vector_store %arg14[%swap3A_278, %swap3A_279], %exp3A_277 {strides = array<i32>} : memref<2048x8xf32, #tpu.memory_space<vmem>>, vector<2048x1xf32>,
    %slice3A_281 = vector.extract_strided_slice %bitcast_convert_type3A_4 {offsets = [0, 32], sizes = [2048, 8], strides = [1, 1]} : vector<2048x64xf32> to vector<2048x8xf32>
    %slice3A_282 = vector.extract_strided_slice %bitcast_convert_type3A_7 {offsets = [0, 32], sizes = [2048, 8], strides = [1, 1]} : vector<2048x64xf32> to vector<2048x8xf32>
    %concatenate3A_283 = tpu.concatenate %slice3A_281, %slice3A_282 in 1 : vector<2048x8xf32>, vector<2048x8xf32> -> vector<2048x16xf32>
    %slice3A_284 = vector.extract_strided_slice %bitcast_convert_type3A_15 {offsets = [0, 32], sizes = [2048, 8], strides = [1, 1]} : vector<2048x64xf32> to vector<2048x8xf32>
    %slice3A_285 = vector.extract_strided_slice %bitcast_convert_type3A_19 {offsets = [0, 32], sizes = [2048, 8], strides = [1, 1]} : vector<2048x64xf32> to vector<2048x8xf32>
    %concatenate3A_286 = tpu.concatenate %slice3A_284, %slice3A_285 in 1 : vector<2048x8xf32>, vector<2048x8xf32> -> vector<2048x16xf32>
    %mul3A_287 = arith.mulf %concatenate3A_283, %concatenate3A_286 : vector<2048x16xf32>
    %reduce_sum3A_288 = arith.constant dense<0.000000e+00> : vector<2048xf32>
    %reduce_sum3A_289 = vector.multi_reduction <add>, %mul3A_287, %reduce_sum3A_288 [1] : vector<2048x16xf32> to vector<2048xf32>
    %broadcast_in_dim3A_290 = vector.shape_cast %reduce_sum3A_289 : vector<2048xf32> to vector<2048x1xf32>
    %get3A_291 = arith.constant 0 : index
    %get3A_292 = arith.constant 0 : index
    %get3A_293 = vector.load %arg4[%get3A_291, %get3A_292] : memref<16x128xf32, #tpu.memory_space<vmem>>, vector<16x128xf32>
    %dot_general3A_294 = arith.constant dense<0.000000e+00> : vector<2048x128xf32>
    %dot_general3A_295 = tpu.matmul %concatenate3A_283, %get3A_293, %dot_general3A_294 {dimension_numbers = #tpu.dot_dimension_numbers<[1], [0], [0], [1], [0, 0, 1, 1], [], []>, transpose_lhs_hint = false} : vector<2048x16xf32>, vector<16x128xf32>, vector<2048x128xf32> -> vector<2048x128xf32>
    %get3A_296 = arith.constant 0 : index
    %get3A_297 = arith.constant 0 : index
    %get3A_298 = vector.load %arg5[%get3A_296, %get3A_297] : memref<16x128xf32, #tpu.memory_space<vmem>>, vector<16x128xf32>
    %dot_general3A_299 = arith.constant dense<0.000000e+00> : vector<2048x128xf32>
    %dot_general3A_300 = tpu.matmul %concatenate3A_286, %get3A_298, %dot_general3A_299 {dimension_numbers = #tpu.dot_dimension_numbers<[1], [0], [0], [1], [0, 0, 1, 1], [], []>, transpose_lhs_hint = false} : vector<2048x16xf32>, vector<16x128xf32>, vector<2048x128xf32> -> vector<2048x128xf32>
    %add3A_301 = arith.addf %dot_general3A_295, %dot_general3A_300 : vector<2048x128xf32>
    %add3A_302 = arith.addf %add3A_301, %dot_general3A_37 : vector<2048x128xf32>
    %mul3A_303 = vector.broadcast %broadcast_in_dim3A_290 : vector<2048x1xf32> to vector<2048x128xf32>
    %mul3A_304 = vector.broadcast %get3A_52 : vector<1x128xf32> to vector<2048x128xf32>
    %mul3A_305 = arith.mulf %mul3A_303, %mul3A_304 : vector<2048x128xf32>
    %add3A_306 = arith.addf %add3A_302, %mul3A_305 : vector<2048x128xf32>
    %add3A_307 = vector.broadcast %get3A_40 : vector<1x128xf32> to vector<2048x128xf32>
    %add3A_308 = arith.addf %add3A_306, %add3A_307 : vector<2048x128xf32>
    %logistic3A_309 = arith.negf %add3A_308 : vector<2048x128xf32>
    %logistic3A_310 = math.exp %logistic3A_309 : vector<2048x128xf32>
    %logistic3A_311 = arith.constant 1.000000e+00 : f32
    %logistic3A_312 = vector.broadcast %logistic3A_311 : f32 to vector<2048x128xf32>
    %logistic3A_313 = arith.addf %logistic3A_312, %logistic3A_310 : vector<2048x128xf32>
    %logistic3A_314 = arith.divf %logistic3A_312, %logistic3A_313 : vector<2048x128xf32>
    %mul3A_315 = arith.mulf %add3A_308, %logistic3A_314 : vector<2048x128xf32>
    %dot_general3A_316 = arith.constant dense<0.000000e+00> : vector<2048x128xf32>
    %dot_general3A_317 = tpu.matmul %mul3A_315, %get3A_43, %dot_general3A_316 {dimension_numbers = #tpu.dot_dimension_numbers<[1], [0], [0], [1], [0, 0, 1, 1], [], []>, transpose_lhs_hint = false} : vector<2048x128xf32>, vector<128x128xf32>, vector<2048x128xf32> -> vector<2048x128xf32>
    %add3A_318 = vector.broadcast %get3A_46 : vector<1x128xf32> to vector<2048x128xf32>
    %add3A_319 = arith.addf %dot_general3A_317, %add3A_318 : vector<2048x128xf32>
    %logistic3A_320 = arith.negf %add3A_319 : vector<2048x128xf32>
    %logistic3A_321 = math.exp %logistic3A_320 : vector<2048x128xf32>
    %logistic3A_322 = arith.constant 1.000000e+00 : f32
    %logistic3A_323 = vector.broadcast %logistic3A_322 : f32 to vector<2048x128xf32>
    %logistic3A_324 = arith.addf %logistic3A_323, %logistic3A_321 : vector<2048x128xf32>
    %logistic3A_325 = arith.divf %logistic3A_323, %logistic3A_324 : vector<2048x128xf32>
    %mul3A_326 = arith.mulf %add3A_319, %logistic3A_325 : vector<2048x128xf32>
    %slice3A_327 = vector.extract_strided_slice %get3A_49 {offsets = [0, 4], sizes = [128, 1], strides = [1, 1]} : vector<128x8xf32> to vector<128x1xf32>
    %dot_general3A_328 = arith.constant dense<0.000000e+00> : vector<2048x1xf32>
    %dot_general3A_329 = tpu.matmul %mul3A_326, %slice3A_327, %dot_general3A_328 {dimension_numbers = #tpu.dot_dimension_numbers<[1], [0], [0], [1], [0, 0, 1, 1], [], []>, transpose_lhs_hint = false} : vector<2048x128xf32>, vector<128x1xf32>, vector<2048x1xf32> -> vector<2048x1xf32>
    %get3A_330 = arith.constant 0 : index
    %get3A_331 = arith.constant 4 : index
    %get3A_332 = vector.load %arg13[%get3A_330, %get3A_331] : memref<1x8xf32, #tpu.memory_space<vmem>>, vector<1x1xf32>
    %add3A_333 = vector.broadcast %get3A_332 : vector<1x1xf32> to vector<2048x1xf32>
    %add3A_334 = arith.addf %dot_general3A_329, %add3A_333 : vector<2048x1xf32>
    %exp3A_335 = math.exp %add3A_334 : vector<2048x1xf32>
    %swap3A_336 = arith.constant 0 : index
    %swap3A_337 = arith.constant 4 : index
    %swap3A_338 = vector.load %arg14[%swap3A_336, %swap3A_337] : memref<2048x8xf32, #tpu.memory_space<vmem>>, vector<2048x1xf32>
    tpu.vector_store %arg14[%swap3A_336, %swap3A_337], %exp3A_335 {strides = array<i32>} : memref<2048x8xf32, #tpu.memory_space<vmem>>, vector<2048x1xf32>,
    %slice3A_339 = vector.extract_strided_slice %bitcast_convert_type3A_4 {offsets = [0, 40], sizes = [2048, 8], strides = [1, 1]} : vector<2048x64xf32> to vector<2048x8xf32>
    %slice3A_340 = vector.extract_strided_slice %bitcast_convert_type3A_7 {offsets = [0, 40], sizes = [2048, 8], strides = [1, 1]} : vector<2048x64xf32> to vector<2048x8xf32>
    %concatenate3A_341 = tpu.concatenate %slice3A_339, %slice3A_340 in 1 : vector<2048x8xf32>, vector<2048x8xf32> -> vector<2048x16xf32>
    %slice3A_342 = vector.extract_strided_slice %bitcast_convert_type3A_15 {offsets = [0, 40], sizes = [2048, 8], strides = [1, 1]} : vector<2048x64xf32> to vector<2048x8xf32>
    %slice3A_343 = vector.extract_strided_slice %bitcast_convert_type3A_19 {offsets = [0, 40], sizes = [2048, 8], strides = [1, 1]} : vector<2048x64xf32> to vector<2048x8xf32>
    %concatenate3A_344 = tpu.concatenate %slice3A_342, %slice3A_343 in 1 : vector<2048x8xf32>, vector<2048x8xf32> -> vector<2048x16xf32>
    %mul3A_345 = arith.mulf %concatenate3A_341, %concatenate3A_344 : vector<2048x16xf32>
    %reduce_sum3A_346 = arith.constant dense<0.000000e+00> : vector<2048xf32>
    %reduce_sum3A_347 = vector.multi_reduction <add>, %mul3A_345, %reduce_sum3A_346 [1] : vector<2048x16xf32> to vector<2048xf32>
    %broadcast_in_dim3A_348 = vector.shape_cast %reduce_sum3A_347 : vector<2048xf32> to vector<2048x1xf32>
    %get3A_349 = arith.constant 0 : index
    %get3A_350 = arith.constant 0 : index
    %get3A_351 = vector.load %arg4[%get3A_349, %get3A_350] : memref<16x128xf32, #tpu.memory_space<vmem>>, vector<16x128xf32>
    %dot_general3A_352 = arith.constant dense<0.000000e+00> : vector<2048x128xf32>
    %dot_general3A_353 = tpu.matmul %concatenate3A_341, %get3A_351, %dot_general3A_352 {dimension_numbers = #tpu.dot_dimension_numbers<[1], [0], [0], [1], [0, 0, 1, 1], [], []>, transpose_lhs_hint = false} : vector<2048x16xf32>, vector<16x128xf32>, vector<2048x128xf32> -> vector<2048x128xf32>
    %get3A_354 = arith.constant 0 : index
    %get3A_355 = arith.constant 0 : index
    %get3A_356 = vector.load %arg5[%get3A_354, %get3A_355] : memref<16x128xf32, #tpu.memory_space<vmem>>, vector<16x128xf32>
    %dot_general3A_357 = arith.constant dense<0.000000e+00> : vector<2048x128xf32>
    %dot_general3A_358 = tpu.matmul %concatenate3A_344, %get3A_356, %dot_general3A_357 {dimension_numbers = #tpu.dot_dimension_numbers<[1], [0], [0], [1], [0, 0, 1, 1], [], []>, transpose_lhs_hint = false} : vector<2048x16xf32>, vector<16x128xf32>, vector<2048x128xf32> -> vector<2048x128xf32>
    %add3A_359 = arith.addf %dot_general3A_353, %dot_general3A_358 : vector<2048x128xf32>
    %add3A_360 = arith.addf %add3A_359, %dot_general3A_37 : vector<2048x128xf32>
    %mul3A_361 = vector.broadcast %broadcast_in_dim3A_348 : vector<2048x1xf32> to vector<2048x128xf32>
    %mul3A_362 = vector.broadcast %get3A_52 : vector<1x128xf32> to vector<2048x128xf32>
    %mul3A_363 = arith.mulf %mul3A_361, %mul3A_362 : vector<2048x128xf32>
    %add3A_364 = arith.addf %add3A_360, %mul3A_363 : vector<2048x128xf32>
    %add3A_365 = vector.broadcast %get3A_40 : vector<1x128xf32> to vector<2048x128xf32>
    %add3A_366 = arith.addf %add3A_364, %add3A_365 : vector<2048x128xf32>
    %logistic3A_367 = arith.negf %add3A_366 : vector<2048x128xf32>
    %logistic3A_368 = math.exp %logistic3A_367 : vector<2048x128xf32>
    %logistic3A_369 = arith.constant 1.000000e+00 : f32
    %logistic3A_370 = vector.broadcast %logistic3A_369 : f32 to vector<2048x128xf32>
    %logistic3A_371 = arith.addf %logistic3A_370, %logistic3A_368 : vector<2048x128xf32>
    %logistic3A_372 = arith.divf %logistic3A_370, %logistic3A_371 : vector<2048x128xf32>
    %mul3A_373 = arith.mulf %add3A_366, %logistic3A_372 : vector<2048x128xf32>
    %dot_general3A_374 = arith.constant dense<0.000000e+00> : vector<2048x128xf32>
    %dot_general3A_375 = tpu.matmul %mul3A_373, %get3A_43, %dot_general3A_374 {dimension_numbers = #tpu.dot_dimension_numbers<[1], [0], [0], [1], [0, 0, 1, 1], [], []>, transpose_lhs_hint = false} : vector<2048x128xf32>, vector<128x128xf32>, vector<2048x128xf32> -> vector<2048x128xf32>
    %add3A_376 = vector.broadcast %get3A_46 : vector<1x128xf32> to vector<2048x128xf32>
    %add3A_377 = arith.addf %dot_general3A_375, %add3A_376 : vector<2048x128xf32>
    %logistic3A_378 = arith.negf %add3A_377 : vector<2048x128xf32>
    %logistic3A_379 = math.exp %logistic3A_378 : vector<2048x128xf32>
    %logistic3A_380 = arith.constant 1.000000e+00 : f32
    %logistic3A_381 = vector.broadcast %logistic3A_380 : f32 to vector<2048x128xf32>
    %logistic3A_382 = arith.addf %logistic3A_381, %logistic3A_379 : vector<2048x128xf32>
    %logistic3A_383 = arith.divf %logistic3A_381, %logistic3A_382 : vector<2048x128xf32>
    %mul3A_384 = arith.mulf %add3A_377, %logistic3A_383 : vector<2048x128xf32>
    %slice3A_385 = vector.extract_strided_slice %get3A_49 {offsets = [0, 5], sizes = [128, 1], strides = [1, 1]} : vector<128x8xf32> to vector<128x1xf32>
    %dot_general3A_386 = arith.constant dense<0.000000e+00> : vector<2048x1xf32>
    %dot_general3A_387 = tpu.matmul %mul3A_384, %slice3A_385, %dot_general3A_386 {dimension_numbers = #tpu.dot_dimension_numbers<[1], [0], [0], [1], [0, 0, 1, 1], [], []>, transpose_lhs_hint = false} : vector<2048x128xf32>, vector<128x1xf32>, vector<2048x1xf32> -> vector<2048x1xf32>
    %get3A_388 = arith.constant 0 : index
    %get3A_389 = arith.constant 5 : index
    %get3A_390 = vector.load %arg13[%get3A_388, %get3A_389] : memref<1x8xf32, #tpu.memory_space<vmem>>, vector<1x1xf32>
    %add3A_391 = vector.broadcast %get3A_390 : vector<1x1xf32> to vector<2048x1xf32>
    %add3A_392 = arith.addf %dot_general3A_387, %add3A_391 : vector<2048x1xf32>
    %exp3A_393 = math.exp %add3A_392 : vector<2048x1xf32>
    %swap3A_394 = arith.constant 0 : index
    %swap3A_395 = arith.constant 5 : index
    %swap3A_396 = vector.load %arg14[%swap3A_394, %swap3A_395] : memref<2048x8xf32, #tpu.memory_space<vmem>>, vector<2048x1xf32>
    tpu.vector_store %arg14[%swap3A_394, %swap3A_395], %exp3A_393 {strides = array<i32>} : memref<2048x8xf32, #tpu.memory_space<vmem>>, vector<2048x1xf32>,
    %slice3A_397 = vector.extract_strided_slice %bitcast_convert_type3A_4 {offsets = [0, 48], sizes = [2048, 8], strides = [1, 1]} : vector<2048x64xf32> to vector<2048x8xf32>
    %slice3A_398 = vector.extract_strided_slice %bitcast_convert_type3A_7 {offsets = [0, 48], sizes = [2048, 8], strides = [1, 1]} : vector<2048x64xf32> to vector<2048x8xf32>
    %concatenate3A_399 = tpu.concatenate %slice3A_397, %slice3A_398 in 1 : vector<2048x8xf32>, vector<2048x8xf32> -> vector<2048x16xf32>
    %slice3A_400 = vector.extract_strided_slice %bitcast_convert_type3A_15 {offsets = [0, 48], sizes = [2048, 8], strides = [1, 1]} : vector<2048x64xf32> to vector<2048x8xf32>
    %slice3A_401 = vector.extract_strided_slice %bitcast_convert_type3A_19 {offsets = [0, 48], sizes = [2048, 8], strides = [1, 1]} : vector<2048x64xf32> to vector<2048x8xf32>
    %concatenate3A_402 = tpu.concatenate %slice3A_400, %slice3A_401 in 1 : vector<2048x8xf32>, vector<2048x8xf32> -> vector<2048x16xf32>
    %mul3A_403 = arith.mulf %concatenate3A_399, %concatenate3A_402 : vector<2048x16xf32>
    %reduce_sum3A_404 = arith.constant dense<0.000000e+00> : vector<2048xf32>
    %reduce_sum3A_405 = vector.multi_reduction <add>, %mul3A_403, %reduce_sum3A_404 [1] : vector<2048x16xf32> to vector<2048xf32>
    %broadcast_in_dim3A_406 = vector.shape_cast %reduce_sum3A_405 : vector<2048xf32> to vector<2048x1xf32>
    %get3A_407 = arith.constant 0 : index
    %get3A_408 = arith.constant 0 : index
    %get3A_409 = vector.load %arg4[%get3A_407, %get3A_408] : memref<16x128xf32, #tpu.memory_space<vmem>>, vector<16x128xf32>
    %dot_general3A_410 = arith.constant dense<0.000000e+00> : vector<2048x128xf32>
    %dot_general3A_411 = tpu.matmul %concatenate3A_399, %get3A_409, %dot_general3A_410 {dimension_numbers = #tpu.dot_dimension_numbers<[1], [0], [0], [1], [0, 0, 1, 1], [], []>, transpose_lhs_hint = false} : vector<2048x16xf32>, vector<16x128xf32>, vector<2048x128xf32> -> vector<2048x128xf32>
    %get3A_412 = arith.constant 0 : index
    %get3A_413 = arith.constant 0 : index
    %get3A_414 = vector.load %arg5[%get3A_412, %get3A_413] : memref<16x128xf32, #tpu.memory_space<vmem>>, vector<16x128xf32>
    %dot_general3A_415 = arith.constant dense<0.000000e+00> : vector<2048x128xf32>
    %dot_general3A_416 = tpu.matmul %concatenate3A_402, %get3A_414, %dot_general3A_415 {dimension_numbers = #tpu.dot_dimension_numbers<[1], [0], [0], [1], [0, 0, 1, 1], [], []>, transpose_lhs_hint = false} : vector<2048x16xf32>, vector<16x128xf32>, vector<2048x128xf32> -> vector<2048x128xf32>
    %add3A_417 = arith.addf %dot_general3A_411, %dot_general3A_416 : vector<2048x128xf32>
    %add3A_418 = arith.addf %add3A_417, %dot_general3A_37 : vector<2048x128xf32>
    %mul3A_419 = vector.broadcast %broadcast_in_dim3A_406 : vector<2048x1xf32> to vector<2048x128xf32>
    %mul3A_420 = vector.broadcast %get3A_52 : vector<1x128xf32> to vector<2048x128xf32>
    %mul3A_421 = arith.mulf %mul3A_419, %mul3A_420 : vector<2048x128xf32>
    %add3A_422 = arith.addf %add3A_418, %mul3A_421 : vector<2048x128xf32>
    %add3A_423 = vector.broadcast %get3A_40 : vector<1x128xf32> to vector<2048x128xf32>
    %add3A_424 = arith.addf %add3A_422, %add3A_423 : vector<2048x128xf32>
    %logistic3A_425 = arith.negf %add3A_424 : vector<2048x128xf32>
    %logistic3A_426 = math.exp %logistic3A_425 : vector<2048x128xf32>
    %logistic3A_427 = arith.constant 1.000000e+00 : f32
    %logistic3A_428 = vector.broadcast %logistic3A_427 : f32 to vector<2048x128xf32>
    %logistic3A_429 = arith.addf %logistic3A_428, %logistic3A_426 : vector<2048x128xf32>
    %logistic3A_430 = arith.divf %logistic3A_428, %logistic3A_429 : vector<2048x128xf32>
    %mul3A_431 = arith.mulf %add3A_424, %logistic3A_430 : vector<2048x128xf32>
    %dot_general3A_432 = arith.constant dense<0.000000e+00> : vector<2048x128xf32>
    %dot_general3A_433 = tpu.matmul %mul3A_431, %get3A_43, %dot_general3A_432 {dimension_numbers = #tpu.dot_dimension_numbers<[1], [0], [0], [1], [0, 0, 1, 1], [], []>, transpose_lhs_hint = false} : vector<2048x128xf32>, vector<128x128xf32>, vector<2048x128xf32> -> vector<2048x128xf32>
    %add3A_434 = vector.broadcast %get3A_46 : vector<1x128xf32> to vector<2048x128xf32>
    %add3A_435 = arith.addf %dot_general3A_433, %add3A_434 : vector<2048x128xf32>
    %logistic3A_436 = arith.negf %add3A_435 : vector<2048x128xf32>
    %logistic3A_437 = math.exp %logistic3A_436 : vector<2048x128xf32>
    %logistic3A_438 = arith.constant 1.000000e+00 : f32
    %logistic3A_439 = vector.broadcast %logistic3A_438 : f32 to vector<2048x128xf32>
    %logistic3A_440 = arith.addf %logistic3A_439, %logistic3A_437 : vector<2048x128xf32>
    %logistic3A_441 = arith.divf %logistic3A_439, %logistic3A_440 : vector<2048x128xf32>
    %mul3A_442 = arith.mulf %add3A_435, %logistic3A_441 : vector<2048x128xf32>
    %slice3A_443 = vector.extract_strided_slice %get3A_49 {offsets = [0, 6], sizes = [128, 1], strides = [1, 1]} : vector<128x8xf32> to vector<128x1xf32>
    %dot_general3A_444 = arith.constant dense<0.000000e+00> : vector<2048x1xf32>
    %dot_general3A_445 = tpu.matmul %mul3A_442, %slice3A_443, %dot_general3A_444 {dimension_numbers = #tpu.dot_dimension_numbers<[1], [0], [0], [1], [0, 0, 1, 1], [], []>, transpose_lhs_hint = false} : vector<2048x128xf32>, vector<128x1xf32>, vector<2048x1xf32> -> vector<2048x1xf32>
    %get3A_446 = arith.constant 0 : index
    %get3A_447 = arith.constant 6 : index
    %get3A_448 = vector.load %arg13[%get3A_446, %get3A_447] : memref<1x8xf32, #tpu.memory_space<vmem>>, vector<1x1xf32>
    %add3A_449 = vector.broadcast %get3A_448 : vector<1x1xf32> to vector<2048x1xf32>
    %add3A_450 = arith.addf %dot_general3A_445, %add3A_449 : vector<2048x1xf32>
    %exp3A_451 = math.exp %add3A_450 : vector<2048x1xf32>
    %swap3A_452 = arith.constant 0 : index
    %swap3A_453 = arith.constant 6 : index
    %swap3A_454 = vector.load %arg14[%swap3A_452, %swap3A_453] : memref<2048x8xf32, #tpu.memory_space<vmem>>, vector<2048x1xf32>
    tpu.vector_store %arg14[%swap3A_452, %swap3A_453], %exp3A_451 {strides = array<i32>} : memref<2048x8xf32, #tpu.memory_space<vmem>>, vector<2048x1xf32>,
    %slice3A_455 = vector.extract_strided_slice %bitcast_convert_type3A_4 {offsets = [0, 56], sizes = [2048, 8], strides = [1, 1]} : vector<2048x64xf32> to vector<2048x8xf32>
    %slice3A_456 = vector.extract_strided_slice %bitcast_convert_type3A_7 {offsets = [0, 56], sizes = [2048, 8], strides = [1, 1]} : vector<2048x64xf32> to vector<2048x8xf32>
    %concatenate3A_457 = tpu.concatenate %slice3A_455, %slice3A_456 in 1 : vector<2048x8xf32>, vector<2048x8xf32> -> vector<2048x16xf32>
    %slice3A_458 = vector.extract_strided_slice %bitcast_convert_type3A_15 {offsets = [0, 56], sizes = [2048, 8], strides = [1, 1]} : vector<2048x64xf32> to vector<2048x8xf32>
    %slice3A_459 = vector.extract_strided_slice %bitcast_convert_type3A_19 {offsets = [0, 56], sizes = [2048, 8], strides = [1, 1]} : vector<2048x64xf32> to vector<2048x8xf32>
    %concatenate3A_460 = tpu.concatenate %slice3A_458, %slice3A_459 in 1 : vector<2048x8xf32>, vector<2048x8xf32> -> vector<2048x16xf32>
    %mul3A_461 = arith.mulf %concatenate3A_457, %concatenate3A_460 : vector<2048x16xf32>
    %reduce_sum3A_462 = arith.constant dense<0.000000e+00> : vector<2048xf32>
    %reduce_sum3A_463 = vector.multi_reduction <add>, %mul3A_461, %reduce_sum3A_462 [1] : vector<2048x16xf32> to vector<2048xf32>
    %broadcast_in_dim3A_464 = vector.shape_cast %reduce_sum3A_463 : vector<2048xf32> to vector<2048x1xf32>
    %get3A_465 = arith.constant 0 : index
    %get3A_466 = arith.constant 0 : index
    %get3A_467 = vector.load %arg4[%get3A_465, %get3A_466] : memref<16x128xf32, #tpu.memory_space<vmem>>, vector<16x128xf32>
    %dot_general3A_468 = arith.constant dense<0.000000e+00> : vector<2048x128xf32>
    %dot_general3A_469 = tpu.matmul %concatenate3A_457, %get3A_467, %dot_general3A_468 {dimension_numbers = #tpu.dot_dimension_numbers<[1], [0], [0], [1], [0, 0, 1, 1], [], []>, transpose_lhs_hint = false} : vector<2048x16xf32>, vector<16x128xf32>, vector<2048x128xf32> -> vector<2048x128xf32>
    %get3A_470 = arith.constant 0 : index
    %get3A_471 = arith.constant 0 : index
    %get3A_472 = vector.load %arg5[%get3A_470, %get3A_471] : memref<16x128xf32, #tpu.memory_space<vmem>>, vector<16x128xf32>
    %dot_general3A_473 = arith.constant dense<0.000000e+00> : vector<2048x128xf32>
    %dot_general3A_474 = tpu.matmul %concatenate3A_460, %get3A_472, %dot_general3A_473 {dimension_numbers = #tpu.dot_dimension_numbers<[1], [0], [0], [1], [0, 0, 1, 1], [], []>, transpose_lhs_hint = false} : vector<2048x16xf32>, vector<16x128xf32>, vector<2048x128xf32> -> vector<2048x128xf32>
    %add3A_475 = arith.addf %dot_general3A_469, %dot_general3A_474 : vector<2048x128xf32>
    %add3A_476 = arith.addf %add3A_475, %dot_general3A_37 : vector<2048x128xf32>
    %mul3A_477 = vector.broadcast %broadcast_in_dim3A_464 : vector<2048x1xf32> to vector<2048x128xf32>
    %mul3A_478 = vector.broadcast %get3A_52 : vector<1x128xf32> to vector<2048x128xf32>
    %mul3A_479 = arith.mulf %mul3A_477, %mul3A_478 : vector<2048x128xf32>
    %add3A_480 = arith.addf %add3A_476, %mul3A_479 : vector<2048x128xf32>
    %add3A_481 = vector.broadcast %get3A_40 : vector<1x128xf32> to vector<2048x128xf32>
    %add3A_482 = arith.addf %add3A_480, %add3A_481 : vector<2048x128xf32>
    %logistic3A_483 = arith.negf %add3A_482 : vector<2048x128xf32>
    %logistic3A_484 = math.exp %logistic3A_483 : vector<2048x128xf32>
    %logistic3A_485 = arith.constant 1.000000e+00 : f32
    %logistic3A_486 = vector.broadcast %logistic3A_485 : f32 to vector<2048x128xf32>
    %logistic3A_487 = arith.addf %logistic3A_486, %logistic3A_484 : vector<2048x128xf32>
    %logistic3A_488 = arith.divf %logistic3A_486, %logistic3A_487 : vector<2048x128xf32>
    %mul3A_489 = arith.mulf %add3A_482, %logistic3A_488 : vector<2048x128xf32>
    %dot_general3A_490 = arith.constant dense<0.000000e+00> : vector<2048x128xf32>
    %dot_general3A_491 = tpu.matmul %mul3A_489, %get3A_43, %dot_general3A_490 {dimension_numbers = #tpu.dot_dimension_numbers<[1], [0], [0], [1], [0, 0, 1, 1], [], []>, transpose_lhs_hint = false} : vector<2048x128xf32>, vector<128x128xf32>, vector<2048x128xf32> -> vector<2048x128xf32>
    %add3A_492 = vector.broadcast %get3A_46 : vector<1x128xf32> to vector<2048x128xf32>
    %add3A_493 = arith.addf %dot_general3A_491, %add3A_492 : vector<2048x128xf32>
    %logistic3A_494 = arith.negf %add3A_493 : vector<2048x128xf32>
    %logistic3A_495 = math.exp %logistic3A_494 : vector<2048x128xf32>
    %logistic3A_496 = arith.constant 1.000000e+00 : f32
    %logistic3A_497 = vector.broadcast %logistic3A_496 : f32 to vector<2048x128xf32>
    %logistic3A_498 = arith.addf %logistic3A_497, %logistic3A_495 : vector<2048x128xf32>
    %logistic3A_499 = arith.divf %logistic3A_497, %logistic3A_498 : vector<2048x128xf32>
    %mul3A_500 = arith.mulf %add3A_493, %logistic3A_499 : vector<2048x128xf32>
    %slice3A_501 = vector.extract_strided_slice %get3A_49 {offsets = [0, 7], sizes = [128, 1], strides = [1, 1]} : vector<128x8xf32> to vector<128x1xf32>
    %dot_general3A_502 = arith.constant dense<0.000000e+00> : vector<2048x1xf32>
    %dot_general3A_503 = tpu.matmul %mul3A_500, %slice3A_501, %dot_general3A_502 {dimension_numbers = #tpu.dot_dimension_numbers<[1], [0], [0], [1], [0, 0, 1, 1], [], []>, transpose_lhs_hint = false} : vector<2048x128xf32>, vector<128x1xf32>, vector<2048x1xf32> -> vector<2048x1xf32>
    %get3A_504 = arith.constant 0 : index
    %get3A_505 = arith.constant 7 : index
    %get3A_506 = vector.load %arg13[%get3A_504, %get3A_505] : memref<1x8xf32, #tpu.memory_space<vmem>>, vector<1x1xf32>
    %add3A_507 = vector.broadcast %get3A_506 : vector<1x1xf32> to vector<2048x1xf32>
    %add3A_508 = arith.addf %dot_general3A_503, %add3A_507 : vector<2048x1xf32>
    %exp3A_509 = math.exp %add3A_508 : vector<2048x1xf32>
    %swap3A_510 = arith.constant 0 : index
    %swap3A_511 = arith.constant 7 : index
    %swap3A_512 = vector.load %arg14[%swap3A_510, %swap3A_511] : memref<2048x8xf32, #tpu.memory_space<vmem>>, vector<2048x1xf32>
    tpu.vector_store %arg14[%swap3A_510, %swap3A_511], %exp3A_509 {strides = array<i32>} : memref<2048x8xf32, #tpu.memory_space<vmem>>, vector<2048x1xf32>,
    return
  }
  func.func @transform_0(%arg0: i32) -> (i32, i32) {
    %c0_i32 = arith.constant 0 : i32
    %c0_i32_0 = arith.constant 0 : i32
    return %arg0, %c0_i32 : i32, i32
  }
  func.func @transform_1(%arg0: i32) -> (i32, i32) {
    %c0_i32 = arith.constant 0 : i32
    %c0_i32_0 = arith.constant 0 : i32
    return %arg0, %c0_i32 : i32, i32
  }
  func.func @transform_2(%arg0: i32) -> (i32, i32) {
    %c0_i32 = arith.constant 0 : i32
    %c0_i32_0 = arith.constant 0 : i32
    return %arg0, %c0_i32 : i32, i32
  }
  func.func @transform_3(%arg0: i32) -> (i32, i32) {
    %c0_i32 = arith.constant 0 : i32
    %c0_i32_0 = arith.constant 0 : i32
    %c0_i32_1 = arith.constant 0 : i32
    return %c0_i32, %c0_i32_0 : i32, i32
  }
  func.func @transform_4(%arg0: i32) -> (i32, i32) {
    %c0_i32 = arith.constant 0 : i32
    %c0_i32_0 = arith.constant 0 : i32
    %c0_i32_1 = arith.constant 0 : i32
    return %c0_i32, %c0_i32_0 : i32, i32
  }
  func.func @transform_5(%arg0: i32) -> (i32, i32) {
    %c0_i32 = arith.constant 0 : i32
    %c0_i32_0 = arith.constant 0 : i32
    %c0_i32_1 = arith.constant 0 : i32
    return %c0_i32, %c0_i32_0 : i32, i32
  }
  func.func @transform_6(%arg0: i32) -> (i32, i32) {
    %c0_i32 = arith.constant 0 : i32
    %c0_i32_0 = arith.constant 0 : i32
    %c0_i32_1 = arith.constant 0 : i32
    return %c0_i32, %c0_i32_0 : i32, i32
  }
  func.func @transform_7(%arg0: i32) -> (i32, i32) {
    %c0_i32 = arith.constant 0 : i32
    %c0_i32_0 = arith.constant 0 : i32
    %c0_i32_1 = arith.constant 0 : i32
    return %c0_i32, %c0_i32_0 : i32, i32
  }
  func.func @transform_8(%arg0: i32) -> (i32, i32) {
    %c0_i32 = arith.constant 0 : i32
    %c0_i32_0 = arith.constant 0 : i32
    %c0_i32_1 = arith.constant 0 : i32
    return %c0_i32, %c0_i32_0 : i32, i32
  }
  func.func @transform_9(%arg0: i32) -> (i32, i32) {
    %c0_i32 = arith.constant 0 : i32
    %c0_i32_0 = arith.constant 0 : i32
    %c0_i32_1 = arith.constant 0 : i32
    return %c0_i32, %c0_i32_0 : i32, i32
  }
  func.func @transform_10(%arg0: i32) -> (i32, i32) {
    %c0_i32 = arith.constant 0 : i32
    %c0_i32_0 = arith.constant 0 : i32
    %c0_i32_1 = arith.constant 0 : i32
    return %c0_i32, %c0_i32_0 : i32, i32
  }
  func.func @transform_11(%arg0: i32) -> (i32, i32) {
    %c0_i32 = arith.constant 0 : i32
    %c0_i32_0 = arith.constant 0 : i32
    %c0_i32_1 = arith.constant 0 : i32
    return %c0_i32, %c0_i32_0 : i32, i32
  }
  func.func @transform_12(%arg0: i32) -> (i32, i32) {
    %c0_i32 = arith.constant 0 : i32
    %c0_i32_0 = arith.constant 0 : i32
    %c0_i32_1 = arith.constant 0 : i32
    return %c0_i32, %c0_i32_0 : i32, i32
  }
  func.func @transform_13(%arg0: i32) -> (i32, i32) {
    %c0_i32 = arith.constant 0 : i32
    %c0_i32_0 = arith.constant 0 : i32
    return %arg0, %c0_i32 : i32, i32
  }
}

module attributes {stable_mosaic.version = 14 : i64} {
  func.func @_agg_body(%arg0: i32, %arg1: memref<2048x8xf32, #tpu.memory_space<vmem>>, %arg2: memref<2048x128xf32, #tpu.memory_space<vmem>>, %arg3: memref<2048x8xf32, #tpu.memory_space<vmem>>, %arg4: memref<2048x4xf32, #tpu.memory_space<vmem>>, %arg5: memref<2048x8xf32, #tpu.memory_space<vmem>>, %arg6: memref<1x1x2048xi32, #tpu.memory_space<vmem>>, %arg7: memref<2048x136xf32, #tpu.memory_space<vmem>>) attributes {dimension_semantics = [#tpu.dimension_semantics<arbitrary>], iteration_bounds = array<i64: 64>, scalar_prefetch = 0 : i64, scratch_operands = 0 : i64, tpu.core_type = #tpu.core_type<tc>, window_params = [{transform_indices = @transform_0, window_bounds = array<i64: 2048, 8>}, {transform_indices = @transform_1, window_bounds = array<i64: 2048, 128>}, {transform_indices = @transform_2, window_bounds = array<i64: 2048, 8>}, {transform_indices = @transform_3, window_bounds = array<i64: 2048, 4>}, {pipeline_mode = #tpu.pipeline_mode<synchronous>, transform_indices = @transform_4, window_bounds = array<i64: 2048, 8>}, {transform_indices = @transform_5, window_bounds = array<i64: 1, 1, 2048>}, {pipeline_mode = #tpu.pipeline_mode<synchronous>, transform_indices = @transform_6, window_bounds = array<i64: 2048, 136>}]} {
    %eq3A = arith.constant 0 : i32
    %eq3A_0 = arith.cmpi eq, %arg0, %eq3A : i32
    %convert_element_type3A = arith.extui %eq3A_0 : i1 to i32
    %cond3A = arith.constant 0 : i32
    %cond3A_1 = arith.cmpi ne, %convert_element_type3A, %cond3A : i32
    scf.if %cond3A_1 {
      %broadcast_in_dim3A_65 = arith.constant 0.000000e+00 : f32
      %broadcast_in_dim3A_66 = vector.broadcast %broadcast_in_dim3A_65 : f32 to vector<2048x136xf32>
      %swap3A_67 = arith.constant 0 : index
      %swap3A_68 = arith.constant 0 : index
      %swap3A_69 = vector.load %arg7[%swap3A_67, %swap3A_68] : memref<2048x136xf32, #tpu.memory_space<vmem>>, vector<2048x136xf32>
      tpu.vector_store %arg7[%swap3A_67, %swap3A_68], %broadcast_in_dim3A_66 {strides = array<i32>} : memref<2048x136xf32, #tpu.memory_space<vmem>>, vector<2048x136xf32>,
    } else {
    }
    %get3A = arith.constant 0 : index
    %get3A_2 = arith.constant 0 : index
    %get3A_3 = arith.constant 0 : index
    %get3A_4 = vector.load %arg6[%get3A, %get3A_2, %get3A_3] : memref<1x1x2048xi32, #tpu.memory_space<vmem>>, vector<1x1x2048xi32>
    %reshape3A = vector.shape_cast %get3A_4 : vector<1x1x2048xi32> to vector<1x2048xi32>
    %iota3A = tpu.iota {dimensions = array<i32: 0>} : vector<2048x1xi32>
    %eq3A_5 = vector.broadcast %iota3A : vector<2048x1xi32> to vector<2048x2048xi32>
    %eq3A_6 = vector.broadcast %reshape3A : vector<1x2048xi32> to vector<2048x2048xi32>
    %eq3A_7 = arith.cmpi eq, %eq3A_5, %eq3A_6 : vector<2048x2048xi32>
    %convert_element_type3A_8 = arith.extui %eq3A_7 : vector<2048x2048xi1> to vector<2048x2048xi32>
    %convert_element_type3A_9 = arith.sitofp %convert_element_type3A_8 : vector<2048x2048xi32> to vector<2048x2048xf32>
    %convert_element_type3A_10 = arith.truncf %convert_element_type3A_9 : vector<2048x2048xf32> to vector<2048x2048xbf16>
    %get3A_11 = arith.constant 0 : index
    %get3A_12 = arith.constant 0 : index
    %get3A_13 = vector.load %arg1[%get3A_11, %get3A_12] : memref<2048x8xf32, #tpu.memory_space<vmem>>, vector<2048x8xf32>
    %get3A_14 = arith.constant 0 : index
    %get3A_15 = arith.constant 0 : index
    %get3A_16 = vector.load %arg5[%get3A_14, %get3A_15] : memref<2048x8xf32, #tpu.memory_space<vmem>>, vector<2048x8xf32>
    %convert_element_type3A_17 = arith.truncf %get3A_16 : vector<2048x8xf32> to vector<2048x8xbf16>
    %convert_element_type3A_18 = arith.extf %convert_element_type3A_17 : vector<2048x8xbf16> to vector<2048x8xf32>
    %sub3A = arith.subf %get3A_16, %convert_element_type3A_18 : vector<2048x8xf32>
    %convert_element_type3A_19 = arith.truncf %sub3A : vector<2048x8xf32> to vector<2048x8xbf16>
    %dot_general3A = arith.constant dense<0.000000e+00> : vector<2048x8xf32>
    %dot_general3A_20 = tpu.matmul %convert_element_type3A_10, %convert_element_type3A_17, %dot_general3A {dimension_numbers = #tpu.dot_dimension_numbers<[0], [0], [1], [1], [0, 1, 1, 1], [], []>, transpose_lhs_hint = false} : vector<2048x2048xbf16>, vector<2048x8xbf16>, vector<2048x8xf32> -> vector<2048x8xf32>
    %dot_general3A_21 = arith.constant dense<0.000000e+00> : vector<2048x8xf32>
    %dot_general3A_22 = tpu.matmul %convert_element_type3A_10, %convert_element_type3A_19, %dot_general3A_21 {dimension_numbers = #tpu.dot_dimension_numbers<[0], [0], [1], [1], [0, 1, 1, 1], [], []>, transpose_lhs_hint = false} : vector<2048x2048xbf16>, vector<2048x8xbf16>, vector<2048x8xf32> -> vector<2048x8xf32>
    %add3A = arith.addf %dot_general3A_20, %dot_general3A_22 : vector<2048x8xf32>
    %mul3A = arith.mulf %get3A_13, %add3A : vector<2048x8xf32>
    %get3A_23 = arith.constant 0 : index
    %get3A_24 = arith.constant 64 : index
    %get3A_25 = vector.load %arg2[%get3A_23, %get3A_24] : memref<2048x128xf32, #tpu.memory_space<vmem>>, vector<2048x64xf32>
    %bitcast_convert_type3A = tpu.bitcast %get3A_25 : vector<2048x64xf32> -> vector<2048x64xi32>
    %shift_left3A = arith.constant 16 : i32
    %shift_left3A_26 = vector.broadcast %shift_left3A : i32 to vector<2048x64xi32>
    %shift_left3A_27 = arith.shli %bitcast_convert_type3A, %shift_left3A_26 : vector<2048x64xi32>
    %bitcast_convert_type3A_28 = tpu.bitcast %shift_left3A_27 : vector<2048x64xi32> -> vector<2048x64xf32>
    %and3A = arith.constant -65536 : i32
    %and3A_29 = vector.broadcast %and3A : i32 to vector<2048x64xi32>
    %and3A_30 = arith.andi %bitcast_convert_type3A, %and3A_29 : vector<2048x64xi32>
    %bitcast_convert_type3A_31 = tpu.bitcast %and3A_30 : vector<2048x64xi32> -> vector<2048x64xf32>
    %broadcast_in_dim3A = vector.shape_cast %mul3A : vector<2048x8xf32> to vector<2048x8x1xf32>
    %broadcast_in_dim3A_32 = vector.shape_cast %broadcast_in_dim3A : vector<2048x8x1xf32> to vector<2048x8x1xf32>
    %broadcast_in_dim3A_33 = vector.broadcast %broadcast_in_dim3A_32 : vector<2048x8x1xf32> to vector<2048x8x8xf32>
    %reshape3A_34 = vector.shape_cast %broadcast_in_dim3A_33 : vector<2048x8x8xf32> to vector<2048x64xf32>
    %get3A_35 = arith.constant 0 : index
    %get3A_36 = arith.constant 0 : index
    %get3A_37 = vector.load %arg3[%get3A_35, %get3A_36] : memref<2048x8xf32, #tpu.memory_space<vmem>>, vector<2048x8xf32>
    %mul3A_38 = arith.mulf %mul3A, %get3A_37 : vector<2048x8xf32>
    %reduce_sum3A = arith.constant dense<0.000000e+00> : vector<2048xf32>
    %reduce_sum3A_39 = vector.multi_reduction <add>, %mul3A_38, %reduce_sum3A [1] : vector<2048x8xf32> to vector<2048xf32>
    %broadcast_in_dim3A_40 = vector.shape_cast %reduce_sum3A_39 : vector<2048xf32> to vector<2048x1xf32>
    %mul3A_41 = arith.mulf %bitcast_convert_type3A_28, %reshape3A_34 : vector<2048x64xf32>
    %mul3A_42 = arith.mulf %bitcast_convert_type3A_31, %reshape3A_34 : vector<2048x64xf32>
    %get3A_43 = arith.constant 0 : index
    %get3A_44 = arith.constant 0 : index
    %get3A_45 = vector.load %arg4[%get3A_43, %get3A_44] : memref<2048x4xf32, #tpu.memory_space<vmem>>, vector<2048x4xf32>
    %mul3A_46 = vector.broadcast %broadcast_in_dim3A_40 : vector<2048x1xf32> to vector<2048x4xf32>
    %mul3A_47 = arith.mulf %mul3A_46, %get3A_45 : vector<2048x4xf32>
    %broadcast_in_dim3A_48 = arith.constant 0.000000e+00 : f32
    %broadcast_in_dim3A_49 = vector.broadcast %broadcast_in_dim3A_48 : f32 to vector<2048x4xf32>
    %concatenate3A = tpu.concatenate %mul3A_41, %mul3A_42, %mul3A_47, %broadcast_in_dim3A_49 in 1 : vector<2048x64xf32>, vector<2048x64xf32>, vector<2048x4xf32>, vector<2048x4xf32> -> vector<2048x136xf32>
    %convert_element_type3A_50 = arith.truncf %concatenate3A : vector<2048x136xf32> to vector<2048x136xbf16>
    %convert_element_type3A_51 = arith.extf %convert_element_type3A_50 : vector<2048x136xbf16> to vector<2048x136xf32>
    %sub3A_52 = arith.subf %concatenate3A, %convert_element_type3A_51 : vector<2048x136xf32>
    %convert_element_type3A_53 = arith.truncf %sub3A_52 : vector<2048x136xf32> to vector<2048x136xbf16>
    %dot_general3A_54 = arith.constant dense<0.000000e+00> : vector<2048x136xf32>
    %dot_general3A_55 = tpu.matmul %convert_element_type3A_10, %convert_element_type3A_50, %dot_general3A_54 {dimension_numbers = #tpu.dot_dimension_numbers<[1], [0], [0], [1], [0, 0, 1, 1], [], []>, transpose_lhs_hint = false} : vector<2048x2048xbf16>, vector<2048x136xbf16>, vector<2048x136xf32> -> vector<2048x136xf32>
    %dot_general3A_56 = arith.constant dense<0.000000e+00> : vector<2048x136xf32>
    %dot_general3A_57 = tpu.matmul %convert_element_type3A_10, %convert_element_type3A_53, %dot_general3A_56 {dimension_numbers = #tpu.dot_dimension_numbers<[1], [0], [0], [1], [0, 0, 1, 1], [], []>, transpose_lhs_hint = false} : vector<2048x2048xbf16>, vector<2048x136xbf16>, vector<2048x136xf32> -> vector<2048x136xf32>
    %add3A_58 = arith.addf %dot_general3A_55, %dot_general3A_57 : vector<2048x136xf32>
    %get3A_59 = arith.constant 0 : index
    %get3A_60 = arith.constant 0 : index
    %get3A_61 = vector.load %arg7[%get3A_59, %get3A_60] : memref<2048x136xf32, #tpu.memory_space<vmem>>, vector<2048x136xf32>
    %add3A_62 = arith.addf %get3A_61, %add3A_58 : vector<2048x136xf32>
    %swap3A = arith.constant 0 : index
    %swap3A_63 = arith.constant 0 : index
    %swap3A_64 = vector.load %arg7[%swap3A, %swap3A_63] : memref<2048x136xf32, #tpu.memory_space<vmem>>, vector<2048x136xf32>
    tpu.vector_store %arg7[%swap3A, %swap3A_63], %add3A_62 {strides = array<i32>} : memref<2048x136xf32, #tpu.memory_space<vmem>>, vector<2048x136xf32>,
    return
  }
  func.func @transform_0(%arg0: i32) -> (i32, i32) {
    %c0_i32 = arith.constant 0 : i32
    %c0_i32_0 = arith.constant 0 : i32
    return %arg0, %c0_i32 : i32, i32
  }
  func.func @transform_1(%arg0: i32) -> (i32, i32) {
    %c0_i32 = arith.constant 0 : i32
    %c0_i32_0 = arith.constant 0 : i32
    return %arg0, %c0_i32 : i32, i32
  }
  func.func @transform_2(%arg0: i32) -> (i32, i32) {
    %c0_i32 = arith.constant 0 : i32
    %c0_i32_0 = arith.constant 0 : i32
    return %arg0, %c0_i32 : i32, i32
  }
  func.func @transform_3(%arg0: i32) -> (i32, i32) {
    %c0_i32 = arith.constant 0 : i32
    %c0_i32_0 = arith.constant 0 : i32
    return %arg0, %c0_i32 : i32, i32
  }
  func.func @transform_4(%arg0: i32) -> (i32, i32) {
    %c0_i32 = arith.constant 0 : i32
    %c0_i32_0 = arith.constant 0 : i32
    %c0_i32_1 = arith.constant 0 : i32
    return %c0_i32, %c0_i32_0 : i32, i32
  }
  func.func @transform_5(%arg0: i32) -> (i32, i32, i32) {
    %c0_i32 = arith.constant 0 : i32
    %c0_i32_0 = arith.constant 0 : i32
    %c0_i32_1 = arith.constant 0 : i32
    return %arg0, %c0_i32, %c0_i32_0 : i32, i32, i32
  }
  func.func @transform_6(%arg0: i32) -> (i32, i32) {
    %c0_i32 = arith.constant 0 : i32
    %c0_i32_0 = arith.constant 0 : i32
    %c0_i32_1 = arith.constant 0 : i32
    return %c0_i32, %c0_i32_0 : i32, i32
  }
}

</mosaic_0001>

<sc_bundles>
// kernel: scatter_offload_async_start.1
scs
__scs_entry_jumppad:
0x0: {  	(pc) =	sbr.rel $0x88, $3  }
0x1: {  	(tag) =	ssettag $0x0;
	lr =	simm.s32 $0x1  }
0x2: {  	[smem:$0x3F8E] =	sst lr;
	_ =	strace $0xD0000000  }
0x3: {  	_ = 	snop  }
0x4: {  	_ = 	snop  }
0x5: {  	_ = 	snop  }
0x6: {  	_ = 	snop  }
0x7: {  	_ = 	snop  }
__scs_overlays_trampoline_lowered:
0x8: {  	[smem:$0x3F9D] =	sst s0  }
0x9: {  	[smem:$0x3F9E] =	sst s1  }
0xa: {  	[smem:$0x3F9F] =	sst s2  }
0xb: {  	[smem:$0x3FA0] =	sst s3  }
0xc: {  	[smem:$0x3FA1] =	sst s4  }
0xd: {  	[smem:$0x3FA2] =	sst s5  }
0xe: {  	[smem:$0x3FA3] =	sst s6  }
0xf: {  	[smem:$0x3FA4] =	sst s7  }
0x10: {  	[smem:$0x3FA5] =	sst s8  }
0x11: {  	[smem:$0x3FA6] =	sst s9;
	s0 =	simm.s32 @!p0 $0x0  }
0x12: {  	s1 =	sld [smem:$0x3F8C];
	s0 =	simm.s32 @p0 $0x1  }
0x13: {  	[smem:$0x3FA7] =	sst s0;
	s0 =	simm.s32 @!p1 $0x0  }
0x14: {  	s2 =	sld [smem:$0x3F8B];
	s0 =	simm.s32 @p1 $0x1  }
0x15: {  	[smem:$0x3FA8] =	sst s0;
	s0 =	simm.s32 @!p2 $0x0  }
0x16: {  	s3 =	sld [smem:$0x3FDB];
	s0 =	simm.s32 @p2 $0x1  }
0x17: {  	s4 =	simm.s32 $0x1BF5;
	[smem:$0x3FAA] =	sst s0  }
0x18: {  	s0 =	sld [smem:$0x3F8D];
	_ =	swait.ge [sflag:s4], $0x0  }
0x19: {  	s7 =	sld [smem:$0x3F8E]  }
0x1a: {  	s8 =	sadd.s32 $0xFFFFE003, lr  }
0x1b: {  	s9 =	sadd.s32 $0xFFFFFEF7, lr;
	s5 =	simm.s32 $0xFFFFFFFF;
	p2 =	slt.u32 s8, $0xFFFFF086  }
0x1c: {  	p1 =	slt.u32 s9, $0xF7A;
	s5 =	simm.s32 @!p2 $0x0  }
0x1d: {  	s5 =	simm.s32 @p1 $0x1;
	p0 =	seq.s32 s7, s2  }
0x1e: {  	s7 =	smul.u32 @!p0 $0xF7A, s2;
	p2 =	seq.s32 @!p0 s5, $0x0  }
0x1f: {  	s9 =	smul.u32 $0xF7A, s1;
	s8 =	simm.s32 @!p0 $0x1BF5;
	p2 =	por !p2, p0  }
0x20: {  	[sflag:s8] =	ssyncset.s32 @!p0 $0xFFFFF086;
	s6 =	sadd.s32 @!p0 s3, s7;
	s7 =	simm.s32 @!p0 $0x108  }
0x21: {  	s3 =	sadd.s32 s3, s9;
	s6 =	sadd.s32 @!p0 $0x88, s6;
	s7 =	simm.s32 @p2 $0x1082  }
0x22: {  	[simem:s7], [sflag:s8] =	dma.local @!p0 [hbm:s6], $0xF7A  }
0x23: {  	s9 =	sor.u32 $0xD0000000, s2;
	s6 =	simm.s32 $0x108;
	_ =	swait.ge @!p0 [sflag:s8], $0x0  }
0x24: {  	s3 =	sadd.s32 $0x88, s3;
	s6 =	simm.s32 @!p1 $0x1082;
	[sflag:s4] =	ssyncset.s32 $0xFFFFF086  }
0x25: {  	[simem:s6], [sflag:s4] =	dma.local [hbm:s3], $0xF7A  }
0x26: {  	[smem:$0x3F8E] =	sst s1;
	(tag) =	ssettag s2;
	_ =	strace s9  }
0x27: {  	s1 =	sld [smem:$0x3F9E]  }
0x28: {  	s2 =	sld [smem:$0x3F9F]  }
0x29: {  	s4 =	sld [smem:$0x3FA1]  }
0x2a: {  	p0 =	seq.s32 s5, $0x0;
	s5 =	sld [smem:$0x3FA2]  }
0x2b: {  	s6 =	sld [smem:$0x3FA3]  }
0x2c: {  	s7 =	sld [smem:$0x3FA4]  }
0x2d: {  	s3 =	simm.s32 $0x108;
	s8 =	sld [smem:$0x3FA5]  }
0x2e: {  	s3 =	simm.s32 @!p0 $0x1082;
	s9 =	sld [smem:$0x3FA6]  }
0x2f: {  	lr =	sadd.s32 s0, s3;
	s0 =	sld [smem:$0x3F9D]  }
0x30: {  	s3 =	sld [smem:$0x3FA0]  }
0x31: {  	[smem:$0x3FA9] =	sst s10  }
0x32: {  	s10 =	sld [smem:$0x3FA7];
	_ =	sdelay $0x3  }
0x33: {  	p0 =	seq.s32 s10, $0x1;
	s10 =	sld [smem:$0x3FA9];
	_ =	sdelay $0x3  }
0x34: {  	[smem:$0x3FA9] =	sst s10  }
0x35: {  	s10 =	sld [smem:$0x3FA8];
	_ =	sdelay $0x3  }
0x36: {  	p1 =	seq.s32 s10, $0x1;
	s10 =	sld [smem:$0x3FA9];
	_ =	sdelay $0x3  }
0x37: {  	[smem:$0x3FA9] =	sst s10  }
0x38: {  	s10 =	sld [smem:$0x3FAA]  }
0x39: {  	_ = 	snop;
	(pc) =	sbr.ind lr, $3  }
0x3a: {  	_ = 	snop  }
0x3b: {  	_ = 	snop  }
0x3c: {  	p2 =	seq.s32 s10, $0x1;
	s10 =	sld [smem:$0x3FA9]  }
0x3d: {  	_ =	shalt  }
0x3e: {  	_ =	shalt  }
0x3f: {  	_ =	shalt  }
0x40: {  	_ =	shalt  }
0x41: {  	_ =	shalt  }
0x42: {  	_ =	shalt  }
0x43: {  	_ =	shalt  }
0x44: {  	_ =	shalt  }
0x45: {  	_ =	shalt  }
0x46: {  	_ =	shalt  }
0x47: {  	_ =	shalt  }
0x48: {  	_ =	shalt  }
0x49: {  	_ =	shalt  }
0x4a: {  	_ =	shalt  }
0x4b: {  	_ =	shalt  }
0x4c: {  	_ =	shalt  }
0x4d: {  	_ =	shalt  }
0x4e: {  	_ =	shalt  }
0x4f: {  	_ =	shalt  }
0x50: {  	_ =	shalt  }
0x51: {  	_ =	shalt  }
0x52: {  	_ =	shalt  }
0x53: {  	_ =	shalt  }
0x54: {  	_ =	shalt  }
0x55: {  	_ =	shalt  }
0x56: {  	_ =	shalt  }
0x57: {  	_ =	shalt  }
0x58: {  	_ =	shalt  }
0x59: {  	_ =	shalt  }
0x5a: {  	_ =	shalt  }
0x5b: {  	_ =	shalt  }
0x5c: {  	_ =	shalt  }
0x5d: {  	_ =	shalt  }
0x5e: {  	_ =	shalt  }
0x5f: {  	_ =	shalt  }
0x60: {  	_ =	shalt  }
0x61: {  	_ =	shalt  }
0x62: {  	_ =	shalt  }
0x63: {  	_ =	shalt  }
0x64: {  	_ =	shalt  }
0x65: {  	_ =	shalt  }
0x66: {  	_ =	shalt  }
0x67: {  	_ =	shalt  }
0x68: {  	_ =	shalt  }
0x69: {  	_ =	shalt  }
0x6a: {  	_ =	shalt  }
0x6b: {  	_ =	shalt  }
0x6c: {  	_ =	shalt  }
0x6d: {  	_ =	shalt  }
0x6e: {  	_ =	shalt  }
0x6f: {  	_ =	shalt  }
0x70: {  	_ =	shalt  }
0x71: {  	_ =	shalt  }
0x72: {  	_ =	shalt  }
0x73: {  	_ =	shalt  }
0x74: {  	_ =	shalt  }
0x75: {  	_ =	shalt  }
0x76: {  	_ =	shalt  }
0x77: {  	_ =	shalt  }
0x78: {  	_ =	shalt  }
0x79: {  	_ =	shalt  }
0x7a: {  	_ =	shalt  }
0x7b: {  	_ =	shalt  }
0x7c: {  	_ =	shalt  }
0x7d: {  	_ =	shalt  }
0x7e: {  	_ =	shalt  }
0x7f: {  	_ =	shalt  }
0x80: {  	_ =	shalt  }
0x81: {  	_ =	shalt  }
0x82: {  	_ =	shalt  }
0x83: {  	_ =	shalt  }
0x84: {  	_ =	shalt  }
0x85: {  	_ =	shalt  }
0x86: {  	_ =	shalt  }
0x87: {  	_ =	shalt  }
.Lfunc_end0:
.L_simem_size_0:
called_computation.1_lowered:
.L_overlay_start_0:
0x88: {  	s2 =	sld [smem:$0x3FD9]  }
0x89: {  	s3 =	sld [smem:$0x3FFE];
	_ =	sdelay $0x1  }
0x8a: {  	s1 =	srdreg.scid  }
0x8b: {  	s0 =	sand.u32 $0x1, s1  }
0x8c: {  	s15 =	sshll.u32 s0, $0xA;
	s2 =	sadd.s32 s3, s2  }
0x8d: {  	s2 =	sadd.s32 s2, s15  }
0x8e: {  	[smem:$0x3FB5] =	sst s2  }
0x8f: {  	_ = 	snop  }
0x90: {  	(tm) =	ssettm $0x1  }
0x91: {  	s16 =	sld [smem:$0x3FFB];
	_ =	sdelay $0x3  }
0x92: {  	_ =	strace s16  }
0x93: {  	s2 =	sld [smem:$0x3FFC];
	_ =	sdelay $0x3  }
0x94: {  	_ =	strace s2  }
0x95: {  	s2 =	sld [smem:$0x3FFD];
	_ =	sdelay $0x3  }
0x96: {  	_ =	strace s2  }
0x97: {  	_ =	strace $0x8FFFFFFF  }
0x98: {  	s17 =	sld [smem:$0x3FDB];
	_ =	sdelay $0x1  }
0x99: {  	s18 =	simm.s32 $_scs_section_size  }
0x9a: {  	s4 =	simm.s32 $_size__tile_overlayer_lowered;
	s5 =	simm.s32 $_tile_overlayer_lowered  }
0x9b: {  	s21 =	simm.s32 $0x1BFF;
	s20 =	sshll.u32 s5, $0x1;
	s2 =	sadd.s32 s18, s17  }
0x9c: {  	s6 =	simm.s32 $0x0;
	s19 =	sshll.u32 s4, $0x1;
	s4 =	sadd.s32 s20, s2  }
0x9d: {  	[timem:s6], [sflag:s21] =	dma.local [hbm:s4], s19  }
0x9e: {  	_ =	swait.ge [sflag:s21], s19  }
0x9f: {  	s3 =	ssub.s32 $0x0, s19;
	[sflag:s21] =	ssyncset.done $0x0  }
0xa0: {  	[sflag:s21] =	ssyncadd.s32 s3;
	_ =	sdelay $0x1  }
0xa1: {  	s22 =	simm.s32 $0x1B8B  }
0xa2: {  	_ =	swait.ge [sflag:s22], $0x1  }
0xa3: {  	[sflag:s22] =	ssyncset.done $0x0  }
0xa4: {  	s23 =	sld [smem:$0x3FFE];
	[sflag:s22] =	ssyncadd.s32 $0xFFFFFFFF  }
0xa5: {  	s25 =	simm.s32 $0x1B8E;
	s24 =	sld [smem:$0x0]  }
0xa6: {  	s26 =	simm.s32 $execute0_lowered;
	[smem:$0x3FD2] =	sst s25  }
0xa7: {  	s5 =	sshll.u32 s26, $0x1;
	_ =	strace $0x80000049;
	[dreg:$0x1] =	wrdreg $0xFFFFFFFF  }
0xa8: {  	s28 =	simm.s32 $_size_execute0_lowered;
	s2 =	sadd.s32 s2, s5;
	[dreg:$0x0] =	wrdreg $0x0  }
0xa9: {  	s5 =	sshll.u32 s28, $0x1;
	[dreg:$0x2] =	wrdreg s2  }
0xaa: {  	[dreg:$0x3] =	wrdreg s5  }
0xab: {  	[dreg:$0x4] =	wrdreg $0xC0  }
0xac: {  	_ =	task [dreg:s6], $0x5FFFF  }
0xad: {  	[dreg:$0x1] =	wrdreg $0xFFFFFFFF  }
0xae: {  	[dreg:$0x0] =	wrdreg $0x60  }
0xaf: {  	[dreg:$0x2] =	wrdreg s23  }
0xb0: {  	[dreg:$0x3] =	wrdreg s1  }
0xb1: {  	[dreg:$0x4] =	wrdreg s24  }
0xb2: {  	[dreg:$0x5] =	wrdreg $0x9  }
0xb3: {  	_ =	task.clear_ibuf [dreg:s6], $0x6FFFF;
	_ =	strace $0x90000049  }
0xb4: {  	s29 =	simm.s32 $0x9;
	_ =	strace $0x8000004B  }
0xb5: {  	_ =	swait.ge [sflag:s29], $0x1  }
0xb6: {  	[sflag:s29] =	ssyncadd.s32 $0xFFFFFFFF  }
0xb7: {  	_ =	strace $0x9000004B  }
0xb8: {  	_ =	sfence  }
0xb9: {  	s30 =	sld [smem:$0x0];
	_ =	sdelay $0x2  }
0xba: {  	s31 =	sshll.u32 s1, $0xD;
	s1 =	sshrl.u32 s1, $0x2  }
0xbb: {  	s3 =	sand.u32 $0x4000, s31;
	s1 =	sadd.s32 s1, s30  }
0xbc: {  	s0 =	sor.u32 s3, s0;
	s1 =	sshll.u32 s1, $0x11  }
0xbd: {  	s0 =	sor.u32 s1, s0  }
0xbe: {  	s0 =	sadd.s32 $0x8F2B, s0  }
0xbf: {  	[sflag:s0] =	ssyncadd.remote.s32 $0x1  }
0xc0: {  	_ =	sfence.sel $0xFFFF  }
0xc1: {  	[dreg:$0x0] =	wrdreg $0xFFFFFFFF;
	(pc) =	sbr.abs _section_cstart, $3  }
0xc2: {  	[dreg:$0x1] =	wrdreg $0xFFFFFFFF  }
0xc3: {  	_ =	task.clear_ibuf [dreg:s6], $0x2FFFF;
	_ =	strace $0x9FFFFFFF  }
0xc4: {  	(tm) =	ssettm $0x7FFFFFFF  }
0xc5: {  	_ =	shalt  }
tec
execute0_lowered:
.L_overlay_start_1:
0x0: {  	(tag) =	ssettag $0x1  }
0x1: {  	s11 =	rddreg [dreg:$0x0]  }
0x2: {  	s2 =	rddreg [dreg:$0x1];
	_ =	strace $0x8000004A;
	s12 =	simm.s32 $0x1  }
0x3: {  	v0 =	vimm.s32 $0x0;
	[sflag:s12] =	ssyncpa.u1 $0x0  }
0x4: {  	[tilespmem:$0x28] =	vst v0  }
0x5: {  	[tilespmem:$0x38] =	vst v0  }
0x6: {  	[tilespmem:$0x48] =	vst v0  }
0x7: {  	[tilespmem:$0x58] =	vst v0  }
0x8: {  	[tilespmem:$0x68] =	vst v0  }
0x9: {  	[tilespmem:$0x78] =	vst v0  }
0xa: {  	[tilespmem:$0x88] =	vst v0  }
0xb: {  	[tilespmem:$0x98] =	vst v0  }
0xc: {  	[tilespmem:$0xA8] =	vst v0  }
0xd: {  	[tilespmem:$0xB8] =	vst v0  }
0xe: {  	[tilespmem:$0xC8] =	vst v0  }
0xf: {  	[tilespmem:$0xD8] =	vst v0  }
0x10: {  	[tilespmem:$0xE8] =	vst v0  }
0x11: {  	[tilespmem:$0xF8] =	vst v0  }
0x12: {  	[tilespmem:$0x108] =	vst v0  }
0x13: {  	[tilespmem:$0x118] =	vst v0  }
0x14: {  	[tilespmem:$0x128] =	vst v0  }
0x15: {  	[tilespmem:$0x138] =	vst v0  }
0x16: {  	[tilespmem:$0x148] =	vst v0  }
0x17: {  	[tilespmem:$0x158] =	vst v0  }
0x18: {  	[tilespmem:$0x168] =	vst v0  }
0x19: {  	[tilespmem:$0x178] =	vst v0  }
0x1a: {  	[tilespmem:$0x188] =	vst v0  }
0x1b: {  	[tilespmem:$0x198] =	vst v0  }
0x1c: {  	[tilespmem:$0x1A8] =	vst v0  }
0x1d: {  	[tilespmem:$0x1B8] =	vst v0  }
0x1e: {  	[tilespmem:$0x1C8] =	vst v0  }
0x1f: {  	[tilespmem:$0x1D8] =	vst v0  }
0x20: {  	[tilespmem:$0x1E8] =	vst v0  }
0x21: {  	[tilespmem:$0x1F8] =	vst v0  }
0x22: {  	[tilespmem:$0x208] =	vst v0  }
0x23: {  	[tilespmem:$0x218] =	vst v0  }
0x24: {  	[tilespmem:$0x228] =	vst v0  }
0x25: {  	[tilespmem:$0x238] =	vst v0  }
0x26: {  	[tilespmem:$0x248] =	vst v0  }
0x27: {  	[tilespmem:$0x258] =	vst v0  }
0x28: {  	[tilespmem:$0x268] =	vst v0  }
0x29: {  	[tilespmem:$0x278] =	vst v0  }
0x2a: {  	[tilespmem:$0x288] =	vst v0  }
0x2b: {  	[tilespmem:$0x298] =	vst v0  }
0x2c: {  	[tilespmem:$0x2A8] =	vst v0  }
0x2d: {  	[tilespmem:$0x2B8] =	vst v0  }
0x2e: {  	[tilespmem:$0x2C8] =	vst v0  }
0x2f: {  	[tilespmem:$0x2D8] =	vst v0  }
0x30: {  	[tilespmem:$0x2E8] =	vst v0  }
0x31: {  	[tilespmem:$0x2F8] =	vst v0  }
0x32: {  	[tilespmem:$0x308] =	vst v0  }
0x33: {  	[tilespmem:$0x318] =	vst v0  }
0x34: {  	[tilespmem:$0x328] =	vst v0  }
0x35: {  	[tilespmem:$0x338] =	vst v0  }
0x36: {  	[tilespmem:$0x348] =	vst v0  }
0x37: {  	[tilespmem:$0x358] =	vst v0  }
0x38: {  	[tilespmem:$0x368] =	vst v0  }
0x39: {  	[tilespmem:$0x378] =	vst v0  }
0x3a: {  	[tilespmem:$0x388] =	vst v0  }
0x3b: {  	[tilespmem:$0x398] =	vst v0  }
0x3c: {  	[tilespmem:$0x3A8] =	vst v0  }
0x3d: {  	[tilespmem:$0x3B8] =	vst v0  }
0x3e: {  	[tilespmem:$0x3C8] =	vst v0  }
0x3f: {  	[tilespmem:$0x3D8] =	vst v0  }
0x40: {  	[tilespmem:$0x3E8] =	vst v0  }
0x41: {  	[tilespmem:$0x3F8] =	vst v0  }
0x42: {  	[tilespmem:$0x408] =	vst v0  }
0x43: {  	[tilespmem:$0x418] =	vst v0  }
0x44: {  	[tilespmem:$0x428] =	vst v0  }
0x45: {  	[tilespmem:$0x438] =	vst v0  }
0x46: {  	[tilespmem:$0x448] =	vst v0  }
0x47: {  	[tilespmem:$0x458] =	vst v0  }
0x48: {  	[tilespmem:$0x468] =	vst v0  }
0x49: {  	[tilespmem:$0x478] =	vst v0  }
0x4a: {  	[tilespmem:$0x488] =	vst v0  }
0x4b: {  	[tilespmem:$0x498] =	vst v0  }
0x4c: {  	[tilespmem:$0x4A8] =	vst v0  }
0x4d: {  	[tilespmem:$0x4B8] =	vst v0  }
0x4e: {  	[tilespmem:$0x4C8] =	vst v0  }
0x4f: {  	[tilespmem:$0x4D8] =	vst v0  }
0x50: {  	[tilespmem:$0x4E8] =	vst v0  }
0x51: {  	[tilespmem:$0x4F8] =	vst v0  }
0x52: {  	[tilespmem:$0x508] =	vst v0  }
0x53: {  	[tilespmem:$0x518] =	vst v0  }
0x54: {  	[tilespmem:$0x528] =	vst v0  }
0x55: {  	[tilespmem:$0x538] =	vst v0  }
0x56: {  	[tilespmem:$0x548] =	vst v0  }
0x57: {  	[tilespmem:$0x558] =	vst v0  }
0x58: {  	[tilespmem:$0x568] =	vst v0  }
0x59: {  	[tilespmem:$0x578] =	vst v0  }
0x5a: {  	[tilespmem:$0x588] =	vst v0  }
0x5b: {  	[tilespmem:$0x598] =	vst v0  }
0x5c: {  	[tilespmem:$0x5A8] =	vst v0  }
0x5d: {  	[tilespmem:$0x5B8] =	vst v0  }
0x5e: {  	[tilespmem:$0x5C8] =	vst v0  }
0x5f: {  	[tilespmem:$0x5D8] =	vst v0  }
0x60: {  	[tilespmem:$0x5E8] =	vst v0  }
0x61: {  	[tilespmem:$0x5F8] =	vst v0  }
0x62: {  	[tilespmem:$0x608] =	vst v0  }
0x63: {  	[tilespmem:$0x618] =	vst v0  }
0x64: {  	[tilespmem:$0x628] =	vst v0  }
0x65: {  	[tilespmem:$0x638] =	vst v0  }
0x66: {  	[tilespmem:$0x648] =	vst v0  }
0x67: {  	[tilespmem:$0x658] =	vst v0  }
0x68: {  	[tilespmem:$0x668] =	vst v0  }
0x69: {  	[tilespmem:$0x678] =	vst v0  }
0x6a: {  	[tilespmem:$0x688] =	vst v0  }
0x6b: {  	[tilespmem:$0x698] =	vst v0  }
0x6c: {  	[tilespmem:$0x6A8] =	vst v0  }
0x6d: {  	[tilespmem:$0x6B8] =	vst v0  }
0x6e: {  	[tilespmem:$0x6C8] =	vst v0  }
0x6f: {  	[tilespmem:$0x6D8] =	vst v0  }
0x70: {  	[tilespmem:$0x6E8] =	vst v0  }
0x71: {  	[tilespmem:$0x6F8] =	vst v0  }
0x72: {  	[tilespmem:$0x708] =	vst v0  }
0x73: {  	[tilespmem:$0x718] =	vst v0  }
0x74: {  	[tilespmem:$0x728] =	vst v0  }
0x75: {  	[tilespmem:$0x738] =	vst v0  }
0x76: {  	[tilespmem:$0x748] =	vst v0  }
0x77: {  	[tilespmem:$0x758] =	vst v0  }
0x78: {  	[tilespmem:$0x768] =	vst v0  }
0x79: {  	[tilespmem:$0x778] =	vst v0  }
0x7a: {  	[tilespmem:$0x788] =	vst v0  }
0x7b: {  	[tilespmem:$0x798] =	vst v0  }
0x7c: {  	[tilespmem:$0x7A8] =	vst v0  }
0x7d: {  	[tilespmem:$0x7B8] =	vst v0  }
0x7e: {  	[tilespmem:$0x7C8] =	vst v0  }
0x7f: {  	[tilespmem:$0x7D8] =	vst v0  }
0x80: {  	[tilespmem:$0x7E8] =	vst v0  }
0x81: {  	[tilespmem:$0x7F8] =	vst v0  }
0x82: {  	[tilespmem:$0x808] =	vst v0  }
0x83: {  	[tilespmem:$0x818] =	vst v0  }
0x84: {  	[tilespmem:$0x828] =	vst v0  }
0x85: {  	[tilespmem:$0x838] =	vst v0  }
0x86: {  	[tilespmem:$0x848] =	vst v0  }
0x87: {  	[tilespmem:$0x858] =	vst v0  }
0x88: {  	[tilespmem:$0x868] =	vst v0  }
0x89: {  	[tilespmem:$0x878] =	vst v0  }
0x8a: {  	[tilespmem:$0x888] =	vst v0  }
0x8b: {  	[tilespmem:$0x898] =	vst v0  }
0x8c: {  	[tilespmem:$0x8A8] =	vst v0  }
0x8d: {  	[tilespmem:$0x8B8] =	vst v0  }
0x8e: {  	[tilespmem:$0x8C8] =	vst v0  }
0x8f: {  	[tilespmem:$0x8D8] =	vst v0  }
0x90: {  	[tilespmem:$0x8E8] =	vst v0  }
0x91: {  	[tilespmem:$0x8F8] =	vst v0  }
0x92: {  	[tilespmem:$0x908] =	vst v0  }
0x93: {  	[tilespmem:$0x918] =	vst v0  }
0x94: {  	[tilespmem:$0x928] =	vst v0  }
0x95: {  	[tilespmem:$0x938] =	vst v0  }
0x96: {  	[tilespmem:$0x948] =	vst v0  }
0x97: {  	[tilespmem:$0x958] =	vst v0  }
0x98: {  	[tilespmem:$0x968] =	vst v0  }
0x99: {  	[tilespmem:$0x978] =	vst v0  }
0x9a: {  	[tilespmem:$0x988] =	vst v0  }
0x9b: {  	[tilespmem:$0x998] =	vst v0  }
0x9c: {  	[tilespmem:$0x9A8] =	vst v0  }
0x9d: {  	[tilespmem:$0x9B8] =	vst v0  }
0x9e: {  	[tilespmem:$0x9C8] =	vst v0  }
0x9f: {  	[tilespmem:$0x9D8] =	vst v0  }
0xa0: {  	[tilespmem:$0x9E8] =	vst v0  }
0xa1: {  	[tilespmem:$0x9F8] =	vst v0  }
0xa2: {  	[tilespmem:$0xA08] =	vst v0  }
0xa3: {  	[tilespmem:$0xA18] =	vst v0  }
0xa4: {  	[tilespmem:$0xA28] =	vst v0  }
0xa5: {  	[tilespmem:$0xA38] =	vst v0  }
0xa6: {  	[tilespmem:$0xA48] =	vst v0  }
0xa7: {  	[tilespmem:$0xA58] =	vst v0  }
0xa8: {  	[tilespmem:$0xA68] =	vst v0  }
0xa9: {  	[tilespmem:$0xA78] =	vst v0  }
0xaa: {  	[tilespmem:$0xA88] =	vst v0  }
0xab: {  	[tilespmem:$0xA98] =	vst v0  }
0xac: {  	[tilespmem:$0xAA8] =	vst v0  }
0xad: {  	[tilespmem:$0xAB8] =	vst v0  }
0xae: {  	[tilespmem:$0xAC8] =	vst v0  }
0xaf: {  	[tilespmem:$0xAD8] =	vst v0  }
0xb0: {  	[tilespmem:$0xAE8] =	vst v0  }
0xb1: {  	[tilespmem:$0xAF8] =	vst v0  }
0xb2: {  	[tilespmem:$0xB08] =	vst v0  }
0xb3: {  	[tilespmem:$0xB18] =	vst v0  }
0xb4: {  	[tilespmem:$0xB28] =	vst v0  }
0xb5: {  	[tilespmem:$0xB38] =	vst v0  }
0xb6: {  	[tilespmem:$0xB48] =	vst v0  }
0xb7: {  	[tilespmem:$0xB58] =	vst v0  }
0xb8: {  	[tilespmem:$0xB68] =	vst v0  }
0xb9: {  	[tilespmem:$0xB78] =	vst v0  }
0xba: {  	[tilespmem:$0xB88] =	vst v0  }
0xbb: {  	[tilespmem:$0xB98] =	vst v0  }
0xbc: {  	[tilespmem:$0xBA8] =	vst v0  }
0xbd: {  	[tilespmem:$0xBB8] =	vst v0  }
0xbe: {  	[tilespmem:$0xBC8] =	vst v0  }
0xbf: {  	[tilespmem:$0xBD8] =	vst v0  }
0xc0: {  	[tilespmem:$0xBE8] =	vst v0  }
0xc1: {  	[tilespmem:$0xBF8] =	vst v0  }
0xc2: {  	[tilespmem:$0xC08] =	vst v0  }
0xc3: {  	[tilespmem:$0xC18] =	vst v0  }
0xc4: {  	[tilespmem:$0xC28] =	vst v0  }
0xc5: {  	[tilespmem:$0xC38] =	vst v0  }
0xc6: {  	[tilespmem:$0xC48] =	vst v0  }
0xc7: {  	[tilespmem:$0xC58] =	vst v0  }
0xc8: {  	[tilespmem:$0xC68] =	vst v0  }
0xc9: {  	[tilespmem:$0xC78] =	vst v0  }
0xca: {  	[tilespmem:$0xC88] =	vst v0  }
0xcb: {  	[tilespmem:$0xC98] =	vst v0  }
0xcc: {  	[tilespmem:$0xCA8] =	vst v0  }
0xcd: {  	[tilespmem:$0xCB8] =	vst v0  }
0xce: {  	[tilespmem:$0xCC8] =	vst v0  }
0xcf: {  	[tilespmem:$0xCD8] =	vst v0  }
0xd0: {  	[tilespmem:$0xCE8] =	vst v0  }
0xd1: {  	[tilespmem:$0xCF8] =	vst v0  }
0xd2: {  	[tilespmem:$0xD08] =	vst v0  }
0xd3: {  	[tilespmem:$0xD18] =	vst v0  }
0xd4: {  	[tilespmem:$0xD28] =	vst v0  }
0xd5: {  	[tilespmem:$0xD38] =	vst v0  }
0xd6: {  	[tilespmem:$0xD48] =	vst v0  }
0xd7: {  	[tilespmem:$0xD58] =	vst v0  }
0xd8: {  	[tilespmem:$0xD68] =	vst v0  }
0xd9: {  	[tilespmem:$0xD78] =	vst v0  }
0xda: {  	[tilespmem:$0xD88] =	vst v0  }
0xdb: {  	[tilespmem:$0xD98] =	vst v0  }
0xdc: {  	[tilespmem:$0xDA8] =	vst v0  }
0xdd: {  	[tilespmem:$0xDB8] =	vst v0  }
0xde: {  	[tilespmem:$0xDC8] =	vst v0  }
0xdf: {  	[tilespmem:$0xDD8] =	vst v0  }
0xe0: {  	[tilespmem:$0xDE8] =	vst v0  }
0xe1: {  	[tilespmem:$0xDF8] =	vst v0  }
0xe2: {  	[tilespmem:$0xE08] =	vst v0  }
0xe3: {  	[tilespmem:$0xE18] =	vst v0  }
0xe4: {  	[tilespmem:$0xE28] =	vst v0  }
0xe5: {  	[tilespmem:$0xE38] =	vst v0  }
0xe6: {  	[tilespmem:$0xE48] =	vst v0  }
0xe7: {  	[tilespmem:$0xE58] =	vst v0  }
0xe8: {  	[tilespmem:$0xE68] =	vst v0  }
0xe9: {  	[tilespmem:$0xE78] =	vst v0  }
0xea: {  	[tilespmem:$0xE88] =	vst v0  }
0xeb: {  	[tilespmem:$0xE98] =	vst v0  }
0xec: {  	[tilespmem:$0xEA8] =	vst v0  }
0xed: {  	[tilespmem:$0xEB8] =	vst v0  }
0xee: {  	[tilespmem:$0xEC8] =	vst v0  }
0xef: {  	[tilespmem:$0xED8] =	vst v0  }
0xf0: {  	[tilespmem:$0xEE8] =	vst v0  }
0xf1: {  	[tilespmem:$0xEF8] =	vst v0  }
0xf2: {  	[tilespmem:$0xF08] =	vst v0  }
0xf3: {  	[tilespmem:$0xF18] =	vst v0  }
0xf4: {  	[tilespmem:$0xF28] =	vst v0  }
0xf5: {  	[tilespmem:$0xF38] =	vst v0  }
0xf6: {  	[tilespmem:$0xF48] =	vst v0  }
0xf7: {  	[tilespmem:$0xF58] =	vst v0  }
0xf8: {  	[tilespmem:$0xF68] =	vst v0  }
0xf9: {  	[tilespmem:$0xF78] =	vst v0  }
0xfa: {  	[tilespmem:$0xF88] =	vst v0  }
0xfb: {  	[tilespmem:$0xF98] =	vst v0  }
0xfc: {  	[tilespmem:$0xFA8] =	vst v0  }
0xfd: {  	[tilespmem:$0xFB8] =	vst v0  }
0xfe: {  	[tilespmem:$0xFC8] =	vst v0  }
0xff: {  	[tilespmem:$0xFD8] =	vst v0  }
0x100: {  	[tilespmem:$0xFE8] =	vst v0  }
0x101: {  	[tilespmem:$0xFF8] =	vst v0  }
0x102: {  	[tilespmem:$0x1018] =	vst v0  }
0x103: {  	[tilespmem:$0x10D8] =	vst v0  }
0x104: {  	[tilespmem:$0x1B28] =	vst v0  }
0x105: {  	[tilespmem:$0x1B18] =	vst v0  }
0x106: {  	[tilespmem:$0x1B08] =	vst v0  }
0x107: {  	[tilespmem:$0x1AF8] =	vst v0  }
0x108: {  	[tilespmem:$0x1AE8] =	vst v0  }
0x109: {  	[tilespmem:$0x1AD8] =	vst v0  }
0x10a: {  	[tilespmem:$0x1AC8] =	vst v0  }
0x10b: {  	[tilespmem:$0x1AB8] =	vst v0  }
0x10c: {  	[tilespmem:$0x1AA8] =	vst v0  }
0x10d: {  	[tilespmem:$0x1A98] =	vst v0  }
0x10e: {  	[tilespmem:$0x1A88] =	vst v0  }
0x10f: {  	[tilespmem:$0x1A78] =	vst v0  }
0x110: {  	[tilespmem:$0x1A68] =	vst v0  }
0x111: {  	[tilespmem:$0x1A58] =	vst v0  }
0x112: {  	[tilespmem:$0x1A48] =	vst v0  }
0x113: {  	[tilespmem:$0x1A38] =	vst v0  }
0x114: {  	[tilespmem:$0x1A28] =	vst v0  }
0x115: {  	[tilespmem:$0x1A18] =	vst v0  }
0x116: {  	[tilespmem:$0x1A08] =	vst v0  }
0x117: {  	[tilespmem:$0x19F8] =	vst v0  }
0x118: {  	[tilespmem:$0x19E8] =	vst v0  }
0x119: {  	[tilespmem:$0x19D8] =	vst v0  }
0x11a: {  	[tilespmem:$0x19C8] =	vst v0  }
0x11b: {  	[tilespmem:$0x19B8] =	vst v0  }
0x11c: {  	[tilespmem:$0x19A8] =	vst v0  }
0x11d: {  	[tilespmem:$0x1998] =	vst v0  }
0x11e: {  	[tilespmem:$0x1988] =	vst v0  }
0x11f: {  	[tilespmem:$0x1978] =	vst v0  }
0x120: {  	[tilespmem:$0x1968] =	vst v0  }
0x121: {  	[tilespmem:$0x1958] =	vst v0  }
0x122: {  	[tilespmem:$0x1948] =	vst v0  }
0x123: {  	[tilespmem:$0x1938] =	vst v0  }
0x124: {  	[tilespmem:$0x1928] =	vst v0  }
0x125: {  	[tilespmem:$0x1918] =	vst v0  }
0x126: {  	[tilespmem:$0x1908] =	vst v0  }
0x127: {  	[tilespmem:$0x18F8] =	vst v0  }
0x128: {  	[tilespmem:$0x18E8] =	vst v0  }
0x129: {  	[tilespmem:$0x18D8] =	vst v0  }
0x12a: {  	[tilespmem:$0x18C8] =	vst v0  }
0x12b: {  	[tilespmem:$0x18B8] =	vst v0  }
0x12c: {  	[tilespmem:$0x18A8] =	vst v0  }
0x12d: {  	[tilespmem:$0x1898] =	vst v0  }
0x12e: {  	[tilespmem:$0x1888] =	vst v0  }
0x12f: {  	[tilespmem:$0x1878] =	vst v0  }
0x130: {  	[tilespmem:$0x1868] =	vst v0  }
0x131: {  	[tilespmem:$0x1858] =	vst v0  }
0x132: {  	[tilespmem:$0x1848] =	vst v0  }
0x133: {  	[tilespmem:$0x1838] =	vst v0  }
0x134: {  	[tilespmem:$0x1828] =	vst v0  }
0x135: {  	[tilespmem:$0x1818] =	vst v0  }
0x136: {  	[tilespmem:$0x1808] =	vst v0  }
0x137: {  	[tilespmem:$0x17F8] =	vst v0  }
0x138: {  	[tilespmem:$0x17E8] =	vst v0  }
0x139: {  	[tilespmem:$0x17D8] =	vst v0  }
0x13a: {  	[tilespmem:$0x17C8] =	vst v0  }
0x13b: {  	[tilespmem:$0x17B8] =	vst v0  }
0x13c: {  	[tilespmem:$0x17A8] =	vst v0  }
0x13d: {  	[tilespmem:$0x1798] =	vst v0  }
0x13e: {  	[tilespmem:$0x1788] =	vst v0  }
0x13f: {  	[tilespmem:$0x1778] =	vst v0  }
0x140: {  	[tilespmem:$0x1768] =	vst v0  }
0x141: {  	[tilespmem:$0x1758] =	vst v0  }
0x142: {  	[tilespmem:$0x1748] =	vst v0  }
0x143: {  	[tilespmem:$0x1738] =	vst v0  }
0x144: {  	[tilespmem:$0x1728] =	vst v0  }
0x145: {  	[tilespmem:$0x1718] =	vst v0  }
0x146: {  	[tilespmem:$0x1708] =	vst v0  }
0x147: {  	[tilespmem:$0x16F8] =	vst v0  }
0x148: {  	[tilespmem:$0x16E8] =	vst v0  }
0x149: {  	[tilespmem:$0x16D8] =	vst v0  }
0x14a: {  	[tilespmem:$0x16C8] =	vst v0  }
0x14b: {  	[tilespmem:$0x16B8] =	vst v0  }
0x14c: {  	[tilespmem:$0x16A8] =	vst v0  }
0x14d: {  	[tilespmem:$0x1698] =	vst v0  }
0x14e: {  	[tilespmem:$0x1688] =	vst v0  }
0x14f: {  	[tilespmem:$0x1678] =	vst v0  }
0x150: {  	[tilespmem:$0x1668] =	vst v0  }
0x151: {  	[tilespmem:$0x1658] =	vst v0  }
0x152: {  	[tilespmem:$0x1648] =	vst v0  }
0x153: {  	[tilespmem:$0x1638] =	vst v0  }
0x154: {  	[tilespmem:$0x1628] =	vst v0  }
0x155: {  	[tilespmem:$0x1618] =	vst v0  }
0x156: {  	[tilespmem:$0x1608] =	vst v0  }
0x157: {  	[tilespmem:$0x15F8] =	vst v0  }
0x158: {  	[tilespmem:$0x15E8] =	vst v0  }
0x159: {  	[tilespmem:$0x15D8] =	vst v0  }
0x15a: {  	[tilespmem:$0x15C8] =	vst v0  }
0x15b: {  	[tilespmem:$0x15B8] =	vst v0  }
0x15c: {  	[tilespmem:$0x15A8] =	vst v0  }
0x15d: {  	[tilespmem:$0x1598] =	vst v0  }
0x15e: {  	[tilespmem:$0x1588] =	vst v0  }
0x15f: {  	[tilespmem:$0x1578] =	vst v0  }
0x160: {  	[tilespmem:$0x1568] =	vst v0  }
0x161: {  	[tilespmem:$0x1558] =	vst v0  }
0x162: {  	[tilespmem:$0x1548] =	vst v0  }
0x163: {  	[tilespmem:$0x1538] =	vst v0  }
0x164: {  	[tilespmem:$0x1528] =	vst v0  }
0x165: {  	[tilespmem:$0x1518] =	vst v0  }
0x166: {  	[tilespmem:$0x1508] =	vst v0  }
0x167: {  	[tilespmem:$0x14F8] =	vst v0  }
0x168: {  	[tilespmem:$0x14E8] =	vst v0  }
0x169: {  	[tilespmem:$0x14D8] =	vst v0  }
0x16a: {  	[tilespmem:$0x14C8] =	vst v0  }
0x16b: {  	[tilespmem:$0x14B8] =	vst v0  }
0x16c: {  	[tilespmem:$0x14A8] =	vst v0  }
0x16d: {  	[tilespmem:$0x1498] =	vst v0  }
0x16e: {  	[tilespmem:$0x1488] =	vst v0  }
0x16f: {  	[tilespmem:$0x1478] =	vst v0  }
0x170: {  	[tilespmem:$0x1468] =	vst v0  }
0x171: {  	[tilespmem:$0x1458] =	vst v0  }
0x172: {  	[tilespmem:$0x1448] =	vst v0  }
0x173: {  	[tilespmem:$0x1438] =	vst v0  }
0x174: {  	[tilespmem:$0x1428] =	vst v0  }
0x175: {  	[tilespmem:$0x1418] =	vst v0  }
0x176: {  	[tilespmem:$0x1408] =	vst v0  }
0x177: {  	[tilespmem:$0x13F8] =	vst v0  }
0x178: {  	[tilespmem:$0x13E8] =	vst v0  }
0x179: {  	[tilespmem:$0x13D8] =	vst v0  }
0x17a: {  	[tilespmem:$0x13C8] =	vst v0  }
0x17b: {  	[tilespmem:$0x13B8] =	vst v0  }
0x17c: {  	[tilespmem:$0x13A8] =	vst v0  }
0x17d: {  	[tilespmem:$0x1398] =	vst v0  }
0x17e: {  	[tilespmem:$0x1388] =	vst v0  }
0x17f: {  	[tilespmem:$0x1378] =	vst v0  }
0x180: {  	[tilespmem:$0x1368] =	vst v0  }
0x181: {  	[tilespmem:$0x1358] =	vst v0  }
0x182: {  	[tilespmem:$0x1348] =	vst v0  }
0x183: {  	[tilespmem:$0x1338] =	vst v0  }
0x184: {  	[tilespmem:$0x1328] =	vst v0  }
0x185: {  	[tilespmem:$0x1318] =	vst v0  }
0x186: {  	[tilespmem:$0x1308] =	vst v0  }
0x187: {  	[tilespmem:$0x12F8] =	vst v0  }
0x188: {  	[tilespmem:$0x12E8] =	vst v0  }
0x189: {  	[tilespmem:$0x12D8] =	vst v0  }
0x18a: {  	[tilespmem:$0x12C8] =	vst v0  }
0x18b: {  	[tilespmem:$0x12B8] =	vst v0  }
0x18c: {  	[tilespmem:$0x12A8] =	vst v0  }
0x18d: {  	[tilespmem:$0x1298] =	vst v0  }
0x18e: {  	[tilespmem:$0x1288] =	vst v0  }
0x18f: {  	[tilespmem:$0x1278] =	vst v0  }
0x190: {  	[tilespmem:$0x1268] =	vst v0  }
0x191: {  	[tilespmem:$0x1258] =	vst v0  }
0x192: {  	[tilespmem:$0x1248] =	vst v0  }
0x193: {  	[tilespmem:$0x1238] =	vst v0  }
0x194: {  	[tilespmem:$0x1228] =	vst v0  }
0x195: {  	[tilespmem:$0x1218] =	vst v0  }
0x196: {  	[tilespmem:$0x1208] =	vst v0  }
0x197: {  	[tilespmem:$0x11F8] =	vst v0  }
0x198: {  	[tilespmem:$0x11E8] =	vst v0  }
0x199: {  	[tilespmem:$0x11D8] =	vst v0  }
0x19a: {  	[tilespmem:$0x11C8] =	vst v0  }
0x19b: {  	[tilespmem:$0x11B8] =	vst v0  }
0x19c: {  	[tilespmem:$0x11A8] =	vst v0  }
0x19d: {  	[tilespmem:$0x1198] =	vst v0  }
0x19e: {  	[tilespmem:$0x1188] =	vst v0  }
0x19f: {  	[tilespmem:$0x1178] =	vst v0  }
0x1a0: {  	[tilespmem:$0x1168] =	vst v0  }
0x1a1: {  	[tilespmem:$0x1158] =	vst v0  }
0x1a2: {  	[tilespmem:$0x1148] =	vst v0  }
0x1a3: {  	[tilespmem:$0x1138] =	vst v0  }
0x1a4: {  	[tilespmem:$0x1128] =	vst v0  }
0x1a5: {  	[tilespmem:$0x1118] =	vst v0  }
0x1a6: {  	[tilespmem:$0x1108] =	vst v0  }
0x1a7: {  	s4 =	stileid.u32;
	[tilespmem:$0x10F8] =	vst v0  }
0x1a8: {  	s0 =	smul.u32 $0x9, s4;
	[tilespmem:$0x10E8] =	vst v0  }
0x1a9: {  	s1 =	smin.u32 s4, $0x8;
	[tilespmem:$0x10B8] =	vst v0  }
0x1aa: {  	[tilespmem:$0x10C8] =	vst v0;
	s0 =	sadd.s32 s1, s0  }
0x1ab: {  	p0 =	slt.u32 s4, $0x8;
	[tilespmem:$0x10A8] =	vst v0;
	s1 =	simm.s32 $0x10E0;
	s6 =	smul.u32 $0x1B0, s0  }
0x1ac: {  	s1 =	simm.s32 @!p0 $0xF30;
	[tilespmem:$0x1038] =	vst v0  }
0x1ad: {  	[tilespmem:$0x1098] =	vst v0;
	s0 =	sadd.s32 s1, s6  }
0x1ae: {  	s3 =	simm.s32 $0x2;
	s8 =	simm.s32 $0x9;
	[tilespmem:$0x1088] =	vst v0;
	s7 =	smin.u32 s0, $0x10000  }
0x1af: {  	s10 =	simm.s32 $0xA;
	s30 =	simm.s32 $0xB;
	[tilespmem:$0x1078] =	vst v0;
	s0 =	ssub.s32 s7, s6  }
0x1b0: {  	s16 =	simm.s32 $0x0;
	p4 =	por $0x0, $0x0;
	[tilespmem:$0x1068] =	vst v0;
	p0 =	sgt.s32 s0, $0x0  }
0x1b1: {  	s17 =	simm.s32 $0xC;
	s21 =	simm.s32 $0x0;
	[tilespmem:$0x1058] =	vst v0;
	s0 =	simm.s32 @!p0 $0x0  }
0x1b2: {  	s18 =	simm.s32 $0x0;
	s2 =	sand.u32 $0x1, s2;
	[tilespmem:$0x1048] =	vst v0;
	s29 =	smulhi.u32 $0x4BDA12F7, s0  }
0x1b3: {  	s20 =	simm.s32 $0x0;
	s31 =	sshll.u32 s4, $0x5;
	[dreg:$0x5] =	wrdreg s2;
	[tilespmem:$0x1028] =	vst v0  }
0x1b4: {  	[tilespmem:$0x1008] =	vst v0;
	s2 =	sshll.u32 s2, $0xD;
	[sflag:s3] =	ssyncpa.u1 $0x0;
	s1 =	sshrl.u32 s29, $0x7  }
0x1b5: {  	v0 =	vimm.s32 $0xFFFFFFFF;
	s3 =	sadd.s32 $0x5A00, s11;
	[dreg:$0x4] =	wrdreg s31;
	s5 =	smul.u32 $0x1B0, s1  }
.Ltmp0:
0x1b6: {  	s2 =	sadd.s32 s2, s11;
	[tilespmem:$0x3648] =	vst v0;
	[sflag:s8] =	ssyncpa.u1 $0x0;
	(pc) =	sbr.rel .LBB2_1-.Ltmp0, $4  }
0x1b7: {  	s11 =	sadd.s32 $0x70DC00, s11;
	[sflag:s10] =	ssyncpa.u1 $0x0;
	p0 =	sne.s32 s0, s5  }
0x1b8: {  	s14 =	sadd.s32 $0x1A00, s2;
	s15 =	sadd.s32 $0x17200, s2;
	s12 =	simm.s32 @!p0 $0x0  }
0x1b9: {  	[sflag:s30] =	ssyncpa.u1 $0x0;
	s19 =	smov.u32 s6;
	s12 =	sadd.s32 s12, s1  }
0x1ba: {  	v0 =	vlaneseq.u32;
	[dreg:$0x6] =	wrdreg s6;
	p0 =	por $0x1, $0x1;
	s4 =	sadd.s32 $0x1, s12  }
.LBB2_18:
0x1bb: {  	s0 =	simm.s32 $0x2  }
0x1bc: {  	_ =	swait.ge [sflag:s0], $0x0  }
0x1bd: {  	[sflag:s0] =	ssyncset.done $0x0;
	s0 =	simm.s32 $0x0  }
.LBB2_19:
0x1be: {  	_ =	swait.ge [sflag:s17], s0  }
0x1bf: {  	s31 =	ssub.s32 $0x0, s0;
	v1 =	vmov s23;
	vm0 =	veq.s32 v0, $0x0;
	[sflag:s17] =	ssyncset.done $0x0  }
0x1c0: {  	vm15 =	veq.s32 v0, $0x2;
	v1 =	vsel vm0, s28, v1;
	[sflag:s17] =	ssyncadd.s32 s31  }
0x1c1: {  	v1 =	vsel vm15, s21, v1;
	[sflag:s17] =	ssyncpa.u1 $0x1  }
0x1c2: {  	[tilespmem:$0x3648] =	vst v1  }
.LBB2_20:
0x1c3: {  	s0 =	sadd.s32 $0x1B0, s19  }
0x1c4: {  	s1 =	smov.u32 s6;
	p1 =	slt.s32 s0, s7  }
0x1c5: {  	s1 =	smov.u32 @p1 s0;
	p1 =	sne.s32 s20, s4  }
.Ltmp1:
0x1c6: {  	_ = 	snop;
	(pc) =	sbr.rel @!p1 .LBB2_21-.Ltmp1, $4  }
0x1c7: {  	_ = 	snop  }
0x1c8: {  	s21 =	smov.u32 s18  }
0x1c9: {  	s31 =	sadd.s32 $0x1, s20;
	s18 =	smov.u32 s19;
	p0 =	por !p0, !p0  }
0x1ca: {  	p4 =	por !p4, !p4;
	s20 =	smov.u32 s31;
	s19 =	smov.u32 s1  }
.LBB2_1:
0x1cb: {  	p2 =	sge.u32 s20, s12  }
0x1cc: {  	s0 =	smulhi.u32 @!p2 $0xAAAAAAAB, s20  }
0x1cd: {  	s1 =	smov.u32 s19;
	p3 =	sgt.s32 @!p2 s19, $0xFE50  }
0x1ce: {  	s2 =	sshra.s32 @!p2 s19, $0x1F;
	p3 =	por !p3, p2;
	s0 =	sshrl.u32 @!p2 s0, $0x1  }
0x1cf: {  	s2 =	sand.u32 @!p2 s2, s19;
	s1 =	simm.s32 @p3 $0xFE50;
	s0 =	smul.u32 @!p2 $0x3, s0  }
0x1d0: {  	s1 =	ssub.s32 @!p2 s1, s2  }
0x1d1: {  	s23 =	sadd.s32 $0xFFFFFFFF, s20;
	s1 =	sadd.s32 @!p2 $0xFFFF01B0, s1;
	s0 =	ssub.s32 @!p2 s20, s0  }
0x1d2: {  	s2 =	sshll.u32 @!p2 s1, $0x2;
	p3 =	sgt.s32 @!p2 s1, $0x1AF;
	s0 =	smul.u32 @!p2 $0x6C0, s0  }
0x1d3: {  	s5 =	sand.u32 @!p2 $0x7, s19;
	s1 =	ssub.s32 @!p2 $0x6C0, s2;
	p3 =	por !p3, p2  }
0x1d4: {  	s2 =	sshrl.u32 @!p2 s19, $0x3;
	s1 =	sshrl.u32 @!p2 s1, $0x2;
	s0 =	sshrl.u32 @!p2 s0, $0x2  }
0x1d5: {  	s2 =	sadd.s32 @!p2 s2, s14;
	s1 =	simm.s32 @!p3 $0x0;
	s0 =	sadd.s32 @!p2 $0x3888, s0  }
0x1d6: {  	[tilespmem:s0], [sflag:$0xA] =	stream.linear.gather @!p2 [hbm4b:s2+s5], s1, $0x38;
	[tilespmem:$0x1F0F8] =	vst v63  }
0x1d7: {  	p2 =	sge.u32 s23, s12  }
0x1d8: {  	p3 =	sgt.s32 @!p2 s18, $0xFE50  }
0x1d9: {  	s0 =	smov.u32 s18;
	s1 =	sshra.s32 @!p2 s18, $0x1F;
	p3 =	por !p3, p2  }
0x1da: {  	s1 =	sand.u32 @!p2 s1, s18;
	s0 =	simm.s32 @p3 $0xFE50  }
0x1db: {  	s0 =	ssub.s32 @!p2 s0, s1  }
0x1dc: {  	s0 =	sadd.s32 @!p2 $0xFFFF01B0, s0  }
0x1dd: {  	s1 =	sshll.u32 @!p2 s0, $0x2  }
0x1de: {  	p3 =	sgt.s32 @!p2 s0, $0x1AF;
	s0 =	ssub.s32 @!p2 $0x6C0, s1  }
0x1df: {  	s22 =	ssub.s32 @!p2 $0x10000, s18;
	p3 =	por !p3, p2;
	s0 =	sshrl.u32 @!p2 s0, $0x2  }
0x1e0: {  	s1 =	sand.u32 @!p2 $0x1, s23;
	s0 =	simm.s32 @!p3 $0x0;
	p3 =	slt.s32 @!p2 s22, $0x1  }
0x1e1: {  	s2 =	simm.s32 @!p2 $0xA;
	s1 =	smul.u32 @!p2 $0x6C0, s1;
	p3 =	por p2, p3  }
.Ltmp2:
0x1e2: {  	_ =	swait.ge @!p2 [sflag:s2], s0;
	(pc) =	sbr.rel @p3 .LBB2_7-.Ltmp2, $4  }
0x1e3: {  	s5 =	ssub.s32 @!p2 $0x0, s0;
	[sflag:s2] =	ssyncset.done @!p2 $0x0  }
0x1e4: {  	s1 =	sshrl.u32 @!p2 s1, $0x2;
	[sflag:s2] =	ssyncadd.s32 @!p2 s5;
	s2 =	sshrl.u32 @!p2 s18, $0x3  }
0x1e5: {  	s1 =	sadd.s32 @!p2 $0x3D98, s1;
	s5 =	sand.u32 @!p2 $0x7, s18;
	s2 =	sadd.s32 @!p2 s2, s15  }
0x1e6: {  	[tilespmem:s1], [sflag:$0xB] =	stream.linear.gather @!p2 [hbm4b:s2+s5], s0, $0x38;
	[tilespmem:$0x1F0F8] =	vst v63  }
0x1e7: {  	s0 =	smulhi.u32 $0xAAAAAAAB, s23;
	_ =	sdelay $0x1  }
0x1e8: {  	s0 =	sshrl.u32 s0, $0x1  }
0x1e9: {  	s0 =	smul.u32 $0x3, s0;
	_ =	sdelay $0x1  }
0x1ea: {  	s0 =	ssub.s32 s23, s0  }
0x1eb: {  	s1 =	simm.s32 $0x1;
	s0 =	smul.u32 $0x6C0, s0  }
.Ltmp3:
0x1ec: {  	s1 =	simm.s32 @!p0 $0x0;
	(pc) =	sbr.rel .LBB2_4-.Ltmp3, $4  }
0x1ed: {  	s1 =	smul.u32 $0x36000, s1  }
0x1ee: {  	p3 =	slt.s32 @!p2 s22, $0x1B0;
	s0 =	sshrl.u32 s0, $0x2  }
0x1ef: {  	p2 =	por !p3, p2;
	s1 =	sshrl.u32 s1, $0x2;
	s0 =	sadd.s32 $0x3888, s0  }
0x1f0: {  	s24 =	simm.s32 $0x0;
	s22 =	simm.s32 @p2 $0x1B0;
	s23 =	sadd.s32 $0x40F8, s1;
	v1 =	vmov s0  }
.LBB2_3:
0x1f1: {  	p2 =	sge.s32 s24, s22  }
.Ltmp4:
0x1f2: {  	_ = 	snop;
	(pc) =	sbr.rel @p2 .LBB2_7-.Ltmp4, $2  }
0x1f3: {  	_ =	sdelay $0x2  }
0x1f4: {  	s23 =	sadd.s32 $0x800, s23  }
.LBB2_4:
0x1f5: {  	p2 =	sle.s32 s22, s24  }
.Ltmp5:
0x1f6: {  	_ = 	snop;
	(pc) =	sbr.rel @p2 .LBB2_3-.Ltmp5, $2  }
0x1f7: {  	_ =	sdelay $0x2  }
0x1f8: {  	s0 =	smov.u32 s24;
	s24 =	sadd.s32 $0x10, s24  }
0x1f9: {  	s1 =	ssub.s32 s22, s0  }
0x1fa: {  	p2 =	slt.s32 s1, $0x10  }
0x1fb: {  	s1 =	simm.s32 @!p2 $0x10  }
0x1fc: {  	v2 =	vmov s1  }
0x1fd: {  	vm0 =	vgt.s32 v2, v0;
	_ =	sdelay $0x5  }
0x1fe: {  	v2 =	vld.idx.msk [tilespmem:v1+s0+$0x0 ss:$0x1], vm0;
	_ =	sdelay $0x2  }
0x1ff: {  	p2 =	slt.s32 s24, s22;
	s1 =	smov.u32 s22  }
0x200: {  	s2 =	smov.u32 s23;
	s25 =	simm.s32 $0x0;
	s1 =	smov.u32 @p2 s24  }
.LBB2_6:
0x201: {  	(v2sf) =	vpush v2, s25;
	_ =	sdelay $0xc  }
0x202: {  	s25 =	sadd.s32 $0x1, s25  }
0x203: {  	s31 =	sadd.s32 s25, s0  }
0x204: {  	p2 =	slt.s32 s31, s1;
	s5 =	spop (v2sf)  }
.Ltmp6:
0x205: {  	s5 =	sshll.u32 s5, $0x4;
	(pc) =	sbr.rel @p2 .LBB2_6-.Ltmp6, $4  }
0x206: {  	s5 =	sand.u32 $0x1FFFFFF0, s5  }
0x207: {  	s5 =	sadd.s32 s11, s5  }
0x208: {  	[tilespmem:s2], [sflag:$0x9] =	stream.linear.gather [hbm4b:s5+s16], $0x8, $0x38;
	[tilespmem:$0x1F0F8] =	vst v63  }
0x209: {  	s2 =	sadd.s32 $0x80, s2  }
.Ltmp7:
0x20a: {  	_ = 	snop;
	(pc) =	sbr.rel .LBB2_3-.Ltmp7, $1  }
0x20b: {  	_ =	sdelay $0x3  }
.LBB2_7:
0x20c: {  	p2 =	slt.u32 s20, $0x2  }
.Ltmp8:
0x20d: {  	_ = 	snop;
	(pc) =	sbr.rel @p2 .LBB2_20-.Ltmp8, $1  }
0x20e: {  	_ =	sdelay $0x3  }
0x20f: {  	p2 =	sgt.s32 s21, $0xFE50  }
0x210: {  	s0 =	smov.u32 s21;
	s1 =	sshra.s32 s21, $0x1F;
	s2 =	ssub.s32 $0x10000, s21  }
0x211: {  	s0 =	simm.s32 @!p2 $0xFE50;
	s1 =	sand.u32 s1, s21;
	p2 =	slt.s32 s2, $0x1B0  }
0x212: {  	s0 =	ssub.s32 s0, s1;
	s2 =	simm.s32 @!p2 $0x1B0  }
0x213: {  	s0 =	sadd.s32 $0xFFFF01B0, s0;
	s24 =	sshll.u32 s2, $0x3  }
0x214: {  	s28 =	simm.s32 $0x9;
	s25 =	sshll.u32 s0, $0x2;
	s1 =	sand.u32 $0x3FFFFFF8, s24  }
0x215: {  	p2 =	sgt.s32 s0, $0x1AF;
	s26 =	ssub.s32 $0x6C0, s25;
	_ =	swait.ge [sflag:s28], s1  }
0x216: {  	s1 =	ssub.s32 $0x0, s1;
	[sflag:s28] =	ssyncset.done $0x0;
	s0 =	sshrl.u32 s26, $0x2  }
0x217: {  	s30 =	simm.s32 $0xB;
	[sflag:s28] =	ssyncadd.s32 s1;
	s0 =	simm.s32 @p2 $0x0  }
0x218: {  	_ =	swait.ge [sflag:s30], s0  }
0x219: {  	s0 =	ssub.s32 $0x0, s0;
	[sflag:s30] =	ssyncset.done $0x0  }
0x21a: {  	[sflag:s30] =	ssyncadd.s32 s0  }
0x21b: {  	v1 =	vld [tilespmem:$0x3648];
	_ =	sdelay $0x4  }
0x21c: {  	(v2sf) =	vpush v1, $0x0  }
0x21d: {  	(v2sf) =	vpush v1, $0x1  }
0x21e: {  	(v2sf) =	vpush v1, $0x2;
	_ =	sdelay $0x3  }
0x21f: {  	s0 =	sadd.s32 $0x1B0, s21  }
0x220: {  	s1 =	ssub.s32 $0x20000, s21;
	p2 =	slt.s32 s7, s0  }
0x221: {  	s0 =	smov.u32 @p2 s7;
	p2 =	sgt.s32 s1, $0x0  }
0x222: {  	s25 =	ssub.s32 s0, s21;
	s1 =	simm.s32 @!p2 $0x0  }
0x223: {  	p2 =	slt.s32 s1, s25  }
0x224: {  	s25 =	smov.u32 @p2 s1  }
0x225: {  	s24 =	simm.s32 $0x1;
	p2 =	slt.s32 s25, $0x1  }
.Ltmp9:
0x226: {  	s24 =	simm.s32 @!p4 $0x0;
	(pc) =	sbr.rel @p2 .LBB2_12-.Ltmp9, $4  }
0x227: {  	s31 =	smul.u32 $0x6C0, s24  }
0x228: {  	s26 =	spop (v2sf)  }
0x229: {  	s0 =	sshrl.u32 s31, $0x2;
	s29 =	spop (v2sf)  }
0x22a: {  	s22 =	sadd.s32 $0x3D98, s0;
	s21 =	spop (v2sf)  }
0x22b: {  	s0 =	smin.u32 s25, $0x10  }
0x22c: {  	v1 =	vmov s0  }
0x22d: {  	p3 =	sgt.s32 s25, $0x10;
	vm1 =	vgt.u32 v1, v0  }
.Ltmp10:
0x22e: {  	_ = 	snop;
	(pc) =	sbr.rel @!p3 .LBB2_11-.Ltmp10, $2  }
0x22f: {  	_ =	sdelay $0x2  }
0x230: {  	s23 =	simm.s32 $0x10;
	s28 =	sadd.s32 $0xFFFFFFF0, s25;
	s0 =	smov.u32 s22;
	vm0 =	vmmov vm1  }
.LBB2_10:
0x231: {  	s1 =	smin.u32 s28, $0x10;
	s23 =	sadd.s32 $0x10, s23;
	v1 =	vld.msk [tilespmem:s0+$0x0 ss:$0x1], vm1  }
0x232: {  	v2 =	vmov s1;
	p3 =	slt.s32 s23, s25  }
0x233: {  	vm1 =	vgt.u32 v2, v0  }
.Ltmp11:
0x234: {  	(pc) =	sbr.rel @p3 .LBB2_10-.Ltmp11, $3  }
0x235: {  	_ =	sdelay $0x1  }
0x236: {  	v1 =	vshll.u32 v1, $0x4  }
0x237: {  	s28 =	sadd.s32 $0xFFFFFFF0, s28;
	[tilespmem:s0+$0x0] =	vst.msk vm0, v1;
	s0 =	sadd.s32 $0x10, s0;
	vm0 =	vmmov vm1  }
.LBB2_11:
0x238: {  	_ =	sdelay $0x4  }
0x239: {  	v1 =	vld.msk [tilespmem:s0+$0x0 ss:$0x1], vm1;
	_ =	sdelay $0x4  }
0x23a: {  	v1 =	vshll.u32 v1, $0x4  }
0x23b: {  	[tilespmem:s0+$0x0] =	vst.msk vm0, v1  }
.LBB2_12:
0x23c: {  	s0 =	sand.u32 $0x1, s20  }
0x23d: {  	s0 =	smul.u32 $0x1B0, s0  }
0x23e: {  	p3 =	sne.s32 s29, $0xFFFFFFFF  }
0x23f: {  	v1 =	vld.msk @!p3 [tilespmem:s0+$0x3D98], $0x1;
	_ =	sdelay $0x4  }
0x240: {  	(v2sf) =	vpush @!p3 v1, $0x0;
	_ =	sdelay $0xc  }
.Ltmp12:
0x241: {  	_ = 	snop;
	(pc) =	sbr.rel @p2 .LBB2_18-.Ltmp12, $4  }
0x242: {  	_ = 	snop  }
0x243: {  	s28 =	spop @!p3 (v2sf)  }
0x244: {  	s21 =	simm.s32 @!p3 $0x0;
	s23 =	smov.u32 s28  }
0x245: {  	[sflag:s17] =	ssyncpa.u1 $0x0;
	s28 =	smov.u32 @p3 s26;
	s23 =	smov.u32 @p3 s29  }
0x246: {  	v1 =	vld.msk [tilespmem:s22+$0x0], $0x1;
	_ =	sdelay $0x4  }
0x247: {  	(v2sf) =	vpush v1, $0x0;
	_ =	sdelay $0xe  }
0x248: {  	s0 =	simm.s32 @!p4 $0x0;
	s26 =	smul.u32 $0x36000, s24;
	s31 =	spop (v2sf)  }
0x249: {  	s29 =	ssub.s32 $0x0, s25;
	s0 =	simm.s32 @p4 $0x1;
	p2 =	seq.s32 s28, s31  }
0x24a: {  	s1 =	smov.u32 s28;
	[smem:$0x7FD] =	sst s0;
	p3 =	sgt.s32 @!p2 s28, $0x0  }
0x24b: {  	s0 =	sshrl.u32 s26, $0x2;
	s26 =	sadd.s32 $0x1, s29;
	p3 =	por !p3, p2  }
0x24c: {  	s1 =	simm.s32 @p3 $0x0;
	p3 =	seq.s32 s26, $0x0  }
.Ltmp13:
0x24d: {  	_ = 	snop;
	(pc) =	sbr.rel @p3 .LBB2_15-.Ltmp13, $4  }
0x24e: {  	s6 =	smov.u32 s4;
	s25 =	simm.s32 $0x0  }
0x24f: {  	s24 =	sadd.s32 $0x40F8, s0;
	s0 =	simm.s32 @!p2 $0x1;
	s2 =	smin.u32 @!p2 s1, $0x7FFF  }
0x250: {  	s30 =	sadd.s32 $0x1, s22;
	s0 =	smov.u32 @p2 s25;
	s5 =	sand.u32 @!p2 $0x7FF8, s2  }
0x251: {  	s1 =	simm.s32 @!p2 $0x1B38;
	s2 =	sand.u32 @!p2 $0x7, s2;
	s5 =	sadd.s32 @!p2 s3, s5  }
.LBB2_14:
0x252: {  	s4 =	smov.u32 s0  }
0x253: {  	[tilespmem:s1], [sflag:$0x2] =	stream.linear.gather @!p2 [hbm4b:s5+s2], $0x8, $0x38;
	[tilespmem:$0x1F0F8] =	vst v63  }
0x254: {  	s26 =	sadd.s32 $0x1, s26;
	s2 =	smov.u32 s31;
	v1 =	vld.msk [tilespmem:s30+$0x0], $0x1  }
0x255: {  	p3 =	seq.s32 s26, $0x0;
	_ =	sdelay $0x3  }
0x256: {  	(v2sf) =	vpush v1, $0x0;
	_ =	sdelay $0xe  }
0x257: {  	s31 =	spop (v2sf)  }
0x258: {  	p2 =	seq.s32 s2, s31  }
0x259: {  	p4 =	sgt.s32 @!p2 s2, $0x0;
	s1 =	sshll.u32 @!p2 s0, $0x6;
	s0 =	sadd.s32 @!p2 $0x1, s0  }
.Ltmp14:
0x25a: {  	p4 =	por !p4, p2;
	s1 =	sshra.s32 @!p2 s1, $0x2;
	(pc) =	sbr.rel @!p3 .LBB2_14-.Ltmp14, $4  }
0x25b: {  	s0 =	smov.u32 @p2 s4;
	s2 =	simm.s32 @p4 $0x0;
	s1 =	sadd.s32 @!p2 $0x1B38, s1  }
0x25c: {  	s2 =	smin.u32 @!p2 s2, $0x7FFF  }
0x25d: {  	s4 =	sand.u32 @!p2 $0x7FF8, s2;
	s2 =	sand.u32 @!p2 $0x7, s2  }
0x25e: {  	s30 =	sadd.s32 $0x1, s30;
	s5 =	sadd.s32 @!p2 s3, s4  }
.LBB2_15:
0x25f: {  	[tilespmem:s1], [sflag:$0x2] =	stream.linear.gather @!p2 [hbm4b:s5+s2], $0x8, $0x38;
	[tilespmem:$0x1F0F8] =	vst v63  }
0x260: {  	s0 =	sshll.u32 s0, $0x3  }
0x261: {  	s31 =	simm.s32 $0x2;
	s0 =	sand.u32 $0x3FFFFFF8, s0  }
0x262: {  	_ =	swait.ge [sflag:s31], s0  }
0x263: {  	s0 =	ssub.s32 $0x0, s0;
	[sflag:s31] =	ssyncset.done $0x0  }
0x264: {  	[sflag:s31] =	ssyncadd.s32 s0  }
0x265: {  	v1 =	vld.msk [tilespmem:s22+$0x0], $0x1;
	_ =	sdelay $0x4  }
0x266: {  	(v2sf) =	vpush v1, $0x0;
	_ =	sdelay $0xe  }
0x267: {  	s26 =	spop (v2sf)  }
0x268: {  	p2 =	sne.s32 s28, s26  }
0x269: {  	p4 =	sne.s32 @p2 s28, s23  }
0x26a: {  	p3 =	por !p4, !p2  }
0x26b: {  	s0 =	simm.s32 @!p3 $0x0  }
0x26c: {  	v1 =	vld.msk @!p3 [tilespmem:s0+$0x1B38], $0xff  }
0x26d: {  	p5 =	sgt.u32 @!p3 s28, $0x7FFF  }
0x26e: {  	s1 =	sshll.u32 @!p3 s21, $0x6;
	p6 =	por @p2 p5, !p4  }
0x26f: {  	s1 =	sshra.s32 @!p3 s1, $0x2;
	p1 =	por p6, !p2;
	p6 =	por p4, !p2  }
0x270: {  	s2 =	sadd.s32 @!p3 $0x28, s1;
	s4 =	sand.u32 @!p1 $0x7FF8, s28;
	s5 =	sshll.u32 @!p6 s21, $0x6  }
0x271: {  	s28 =	sand.u32 @!p1 $0x7, s28;
	[tilespmem:s1+$0x28] =	vst.add.f32.msk @!p3 $0xff, v1;
	s1 =	sadd.s32 @!p1 s3, s4;
	s4 =	sshra.s32 @!p6 s5, $0x2  }
0x272: {  	[hbm4b:s1+s28] =	stream.linear.scatter @!p1 [tilespmem:s2], [sflag:$0xC], $0x8, $0x38;
	[tilespmem:$0x1F0F8] =	vst v63  }
0x273: {  	s0 =	rddreg [dreg:$0x4];
	s1 =	sadd.s32 @!p6 $0x28, s4;
	s2 =	simm.s32 @!p6 $0x1  }
0x274: {  	[spmem:s0] =	stream.linear.scatter @!p6 [tilespmem:s1], [sflag:$0x1], $0x8, $0x38;
	[tilespmem:$0x1F0F8] =	vst v63  }
0x275: {  	s0 =	sadd.s32 @p2 $0x1, s21;
	_ =	swait.ge @!p6 [sflag:s2], $0x8  }
0x276: {  	s1 =	sshrl.u32 @p2 s0, $0x4;
	[sflag:s2] =	ssyncset.done @!p6 $0x0  }
0x277: {  	s1 =	smulhi.u32 @p2 $0x97B425F, s1;
	[sflag:s2] =	ssyncadd.s32 @!p6 $0xFFFFFFF8  }
0x278: {  	s28 =	sadd.s32 $0x1, s29;
	v1 =	vld.msk @p2 [tilespmem:s24+$0x0], $0xff  }
0x279: {  	p1 =	por @p2 !p5, !p4;
	p4 =	seq.s32 s28, $0x0;
	s1 =	smul.u32 @p2 $0x1B0, s1  }
.Ltmp15:
0x27a: {  	p1 =	por !p1, !p2;
	s2 =	simm.s32 @!p3 $0x0;
	(pc) =	sbr.rel @p4 .LBB2_17-.Ltmp15, $4  }
0x27b: {  	s4 =	sshll.u32 @!p2 s21, $0x6;
	s2 =	simm.s32 @!p1 $0x20;
	s0 =	ssub.s32 @p2 s0, s1  }
0x27c: {  	s29 =	simm.s32 $0x0;
	s2 =	sadd.s32 @!p3 $0x0, s2;
	s5 =	sshll.u32 @p2 s0, $0x4  }
0x27d: {  	s30 =	sshra.s32 @!p2 s4, $0x2;
	s1 =	simm.s32 @p2 $0x1;
	s2 =	smov.u32 @p3 s25;
	[tilespmem:s5+$0x28] =	vst.msk @p2 $0xff, v1  }
0x27e: {  	s21 =	smov.u32 @p2 s0;
	s29 =	smov.u32 @p2 s2;
	s25 =	smov.u32 @p2 s1;
	v1 =	vld.msk @!p2 [tilespmem:s24+$0x0], $0xff  }
.LBB2_16:
0x27f: {  	_ =	sdelay $0x3  }
0x280: {  	s22 =	sadd.s32 $0x1, s22;
	[tilespmem:s30+$0x28] =	vst.add.f32.msk @!p2 $0xff, v1  }
0x281: {  	v1 =	vld.msk [tilespmem:s22+$0x0], $0x1;
	_ =	sdelay $0x4  }
0x282: {  	(v2sf) =	vpush v1, $0x0;
	_ =	sdelay $0xe  }
0x283: {  	s0 =	smov.u32 s26;
	s26 =	spop (v2sf)  }
0x284: {  	p2 =	sne.s32 s0, s26  }
0x285: {  	p5 =	sne.s32 @p2 s0, s23  }
0x286: {  	s4 =	sshll.u32 @!p2 s21, $0x6;
	p4 =	por !p5, !p2  }
0x287: {  	s30 =	sshra.s32 @!p2 s4, $0x2;
	s4 =	sshll.u32 @!p4 s25, $0x6  }
0x288: {  	s4 =	sshra.s32 @!p4 s4, $0x2  }
0x289: {  	p1 =	sgt.u32 @!p4 s0, $0x7FFF;
	v1 =	vld.msk @!p4 [tilespmem:s4+$0x1B38], $0xff  }
0x28a: {  	s31 =	sshll.u32 @!p4 s21, $0x6;
	p6 =	por @p2 p1, !p5;
	p1 =	por @p2 !p1, !p5  }
0x28b: {  	s8 =	simm.s32 @!p4 $0x0;
	s31 =	sshra.s32 @!p4 s31, $0x2;
	p1 =	por !p1, !p2  }
0x28c: {  	p5 =	por p5, !p2;
	s8 =	simm.s32 @!p1 $0x20;
	p1 =	por p6, !p2  }
0x28d: {  	s4 =	sadd.s32 @!p4 $0x28, s31;
	s13 =	sshll.u32 @!p5 s21, $0x6;
	s10 =	sand.u32 @!p1 $0x7FF8, s0  }
0x28e: {  	s13 =	sshra.s32 @!p5 s13, $0x2;
	s0 =	sand.u32 @!p1 $0x7, s0;
	s10 =	sadd.s32 @!p1 s3, s10;
	[tilespmem:s31+$0x28] =	vst.add.f32.msk @!p4 $0xff, v1  }
0x28f: {  	[hbm4b:s10+s0] =	stream.linear.scatter @!p1 [tilespmem:s4], [sflag:$0xC], $0x8, $0x38;
	[tilespmem:$0x1F0F8] =	vst v63  }
0x290: {  	s1 =	rddreg [dreg:$0x4];
	s0 =	sadd.s32 @!p5 $0x28, s13;
	s4 =	simm.s32 @!p5 $0x1  }
0x291: {  	[spmem:s1] =	stream.linear.scatter @!p5 [tilespmem:s0], [sflag:$0x1], $0x8, $0x38;
	[tilespmem:$0x1F0F8] =	vst v63  }
0x292: {  	s2 =	sadd.s32 @p2 $0x1, s21;
	_ =	swait.ge @!p5 [sflag:s4], $0x8  }
0x293: {  	s5 =	sshrl.u32 @p2 s2, $0x4;
	[sflag:s4] =	ssyncset.done @!p5 $0x0  }
0x294: {  	s24 =	sadd.s32 $0x80, s24;
	s5 =	smulhi.u32 @p2 $0x97B425F, s5;
	[sflag:s4] =	ssyncadd.s32 @!p5 $0xFFFFFFF8  }
0x295: {  	s28 =	sadd.s32 $0x1, s28;
	v1 =	vld.msk @p2 [tilespmem:s24+$0x0], $0xff  }
0x296: {  	p3 =	seq.s32 s28, $0x0;
	s5 =	smul.u32 @p2 $0x1B0, s5  }
.Ltmp16:
0x297: {  	_ = 	snop;
	(pc) =	sbr.rel @!p3 .LBB2_16-.Ltmp16, $4  }
0x298: {  	s2 =	ssub.s32 @p2 s2, s5  }
0x299: {  	s8 =	sadd.s32 @!p4 s8, s29;
	s5 =	sshll.u32 @p2 s2, $0x4  }
0x29a: {  	s9 =	sadd.s32 @p2 $0x1, s25;
	s8 =	smov.u32 @p4 s29;
	[tilespmem:s5+$0x28] =	vst.msk @p2 $0xff, v1  }
0x29b: {  	s25 =	smov.u32 @p2 s9;
	s21 =	smov.u32 @p2 s2;
	s29 =	smov.u32 @p2 s8;
	v1 =	vld.msk @!p2 [tilespmem:s24+$0x0], $0xff  }
.LBB2_17:
.Ltmp17:
0x29c: {  	_ = 	snop;
	(pc) =	sbr.rel .LBB2_19-.Ltmp17, $3  }
0x29d: {  	s1 =	sld [smem:$0x7FD];
	_ =	sdelay $0x1  }
0x29e: {  	s0 =	sshrl.u32 s29, $0x2;
	s28 =	smov.u32 s26  }
0x29f: {  	s4 =	smov.u32 s6;
	s6 =	rddreg [dreg:$0x6];
	p4 =	seq.s32 s1, $0x1;
	[tilespmem:s30+$0x28] =	vst.add.f32.msk @!p2 $0xff, v1  }
.LBB2_21:
0x2a0: {  	_ =	sfence.sel $0x180000  }
0x2a1: {  	s0 =	simm.s32 $0x9;
	[bflag:$0x0] =	sbarrier.arrive $0xFFFF  }
0x2a2: {  	s24 =	simm.s32 $0xA;
	[sflag:s0] =	ssyncpa.u1 $0x1  }
0x2a3: {  	s25 =	simm.s32 $0xB;
	[sflag:s24] =	ssyncpa.u1 $0x1  }
0x2a4: {  	s26 =	simm.s32 $0x2;
	[sflag:s25] =	ssyncpa.u1 $0x1  }
0x2a5: {  	[sflag:s26] =	ssyncpa.u1 $0x1  }
0x2a6: {  	v0 =	vld [tilespmem:$0x3648];
	_ =	sdelay $0x4  }
0x2a7: {  	(v2sf) =	vpush v0, $0x0  }
0x2a8: {  	(v2sf) =	vpush v0, $0x1;
	_ =	sdelay $0x1  }
0x2a9: {  	(v2sf) =	vpush v0, $0x2;
	_ =	sdelay $0xb  }
0x2aa: {  	s0 =	spop (v2sf)  }
0x2ab: {  	s1 =	spop (v2sf)  }
0x2ac: {  	s2 =	smov.u32 s0;
	p0 =	sne.s32 s0, s1  }
0x2ad: {  	s4 =	spop (v2sf);
	s2 =	simm.s32 @!p0 $0xFFFFFFFF  }
0x2ae: {  	v2 =	vimm.s32 $0x1;
	v3 =	vlaneseq.u32;
	p0 =	seq.s32 s4, $0xFFFFFFFF;
	v1 =	vmov s2  }
0x2af: {  	s16 =	stileid.u32;
	v0 =	vperm.xlane v0, v2;
	p1 =	sne.s32 @!p0 s0, s1;
	v1 =	vperm.xlane v1, v3  }
0x2b0: {  	vm0 =	vcmask $0x3F04;
	s6 =	simm.s32 $0x3648;
	s0 =	simm.s32 @!p0 $0x1;
	p1 =	por !p1, p0  }
0x2b1: {  	s2 =	sshll.u32 s16, $0x1;
	s1 =	sshll.u32 @!p0 s4, $0x6;
	s0 =	simm.s32 @p1 $0x0;
	v0 =	vsel vm0, v1, v0  }
0x2b2: {  	s5 =	sor.u32 $0x200, s2;
	s1 =	sshra.s32 @!p0 s1, $0x2;
	s0 =	sor.u32 @!p0 s0, s2;
	[tilespmem:$0x3648] =	vst v0  }
0x2b3: {  	[spmem:s5] =	stream.linear.scatter [tilespmem:s6], [sflag:$0x1], $0x2, $0x38;
	[tilespmem:$0x1F0F8] =	vst v63  }
0x2b4: {  	s1 =	sadd.s32 @!p0 $0x28, s1;
	s0 =	sshll.u32 @!p0 s0, $0x4  }
0x2b5: {  	[spmem:s0] =	stream.linear.scatter @!p0 [tilespmem:s1], [sflag:$0x1], $0x10, $0x38;
	[tilespmem:$0x1F0F8] =	vst v63  }
0x2b6: {  	s0 =	simm.s32 @!p0 $0x12  }
0x2b7: {  	s28 =	simm.s32 $0x1;
	s0 =	simm.s32 @p0 $0x2  }
0x2b8: {  	_ =	swait.ge [sflag:s28], s0  }
0x2b9: {  	s0 =	ssub.s32 $0x0, s0;
	[sflag:s28] =	ssyncset.done $0x0  }
0x2ba: {  	p0 =	sne.s32 s16, $0x0;
	[sflag:s28] =	ssyncadd.s32 s0  }
.Ltmp18:
0x2bb: {  	_ =	sfence.stream.spmem;
	(pc) =	sbr.rel @p0 .LBB2_38-.Ltmp18, $4  }
0x2bc: {  	s29 =	simm.s32 $0x3;
	[bflag:$0x0] =	sbarrier.arrive $0xFFFF  }
0x2bd: {  	s30 =	simm.s32 $0x4;
	[sflag:s29] =	ssyncpa.u1 $0x1  }
0x2be: {  	s31 =	simm.s32 $0x3C;
	[sflag:s30] =	ssyncpa.u1 $0x1  }
0x2bf: {  	s17 =	rddreg [dreg:$0x5];
	[sflag:s31] =	ssyncpa.u1 $0x1  }
0x2c0: {  	_ =	sfence.stream.spmem;
	s0 =	simm.s32 $0x5  }
0x2c1: {  	s1 =	simm.s32 $0x200;
	s2 =	simm.s32 $0x3658;
	[sflag:s0] =	ssyncpa.u1 $0x0  }
0x2c2: {  	[tilespmem:s2], [sflag:$0x5] =	stream.linear.gather [spmem:s1], $0x20, $0x38;
	[tilespmem:$0x1F0F8] =	vst v63  }
0x2c3: {  	s26 =	simm.s32 $0x0;
	s28 =	simm.s32 $0x3678  }
0x2c4: {  	[tilespmem:s28], [sflag:$0x5] =	stream.linear.gather [spmem:s26], $0x200, $0x38;
	[tilespmem:$0x1F0F8] =	vst v63  }
0x2c5: {  	_ =	swait.ge [sflag:s0], $0x220  }
0x2c6: {  	[sflag:s0] =	ssyncset.done $0x0  }
0x2c7: {  	s29 =	simm.s32 $0x0;
	[sflag:s0] =	ssyncadd.s32 $0xFFFFFDE0  }
0x2c8: {  	v0 =	vld.msk [tilespmem:s29+$0x3658], $0x1;
	_ =	sdelay $0x1  }
0x2c9: {  	s30 =	simm.s32 $0x1  }
0x2ca: {  	v1 =	vld.msk [tilespmem:s30+$0x3658], $0x1;
	_ =	sdelay $0x1  }
0x2cb: {  	(v2sf) =	vpush v0, $0x0;
	_ =	sdelay $0x2  }
0x2cc: {  	(v2sf) =	vpush v1, $0x0;
	_ =	sdelay $0x2  }
0x2cd: {  	s31 =	simm.s32 $0x2  }
0x2ce: {  	v0 =	vld.msk [tilespmem:s31+$0x3658], $0x1;
	_ =	sdelay $0x2  }
0x2cf: {  	s6 =	simm.s32 $0xFFFFFFFF;
	s1 =	simm.s32 $0xFFFFFFFF;
	s0 =	simm.s32 $0xC  }
.LBB2_23:
0x2d0: {  	s2 =	smov.u32 s6;
	s4 =	smov.u32 s1  }
0x2d1: {  	s1 =	sshra.s32 s0, $0x2;
	p1 =	sne.s32 s0, $0x7C;
	s0 =	sadd.s32 $0x4, s0;
	(v2sf) =	vpush v0, $0x0  }
0x2d2: {  	v0 =	vld.msk [tilespmem:s1+$0x3658], $0x1  }
.Ltmp19:
0x2d3: {  	(pc) =	sbr.rel @p1 .LBB2_23-.Ltmp19, $4  }
0x2d4: {  	s6 =	spop (v2sf)  }
0x2d5: {  	p2 =	sne.s32 s4, $0xFFFFFFFF;
	s1 =	smov.u32 s6  }
0x2d6: {  	p3 =	seq.s32 s6, $0xFFFFFFFF;
	s1 =	smov.u32 @p2 s4  }
0x2d7: {  	s6 =	smov.u32 @p3 s2;
	s1 =	smov.u32 @p3 s4  }
0x2d8: {  	(v2sf) =	vpush v0, $0x0;
	_ =	sdelay $0x8  }
0x2d9: {  	s0 =	spop (v2sf)  }
0x2da: {  	p1 =	sne.s32 s1, $0xFFFFFFFF;
	s2 =	smov.u32 s0  }
0x2db: {  	s9 =	simm.s32 $0x6;
	p2 =	seq.s32 s0, $0xFFFFFFFF;
	s2 =	smov.u32 @p1 s1  }
0x2dc: {  	s10 =	simm.s32 $0x3638;
	s2 =	smov.u32 @p2 s1;
	s1 =	spop (v2sf)  }
0x2dd: {  	s0 =	smov.u32 @p2 s6;
	p1 =	sne.s32 s2, $0xFFFFFFFF;
	s4 =	smov.u32 s1  }
.Ltmp20:
0x2de: {  	p2 =	seq.s32 s1, $0xFFFFFFFF;
	s4 =	smov.u32 @p1 s2;
	(pc) =	sbr.rel .LBB2_25-.Ltmp20, $4  }
0x2df: {  	s11 =	simm.s32 $0x0;
	s4 =	smov.u32 @p2 s2;
	s7 =	spop (v2sf)  }
0x2e0: {  	[sflag:s9] =	ssyncpa.u1 $0x0;
	p1 =	sne.s32 s4, $0xFFFFFFFF;
	s8 =	smov.u32 s7  }
0x2e1: {  	s1 =	smov.u32 @p2 s0;
	p2 =	seq.s32 s7, $0xFFFFFFFF;
	s8 =	smov.u32 @p1 s4  }
0x2e2: {  	s6 =	simm.s32 $0x0;
	s7 =	smov.u32 @p2 s1;
	s8 =	smov.u32 @p2 s4  }
.LBB2_30:
0x2e3: {  	p1 =	sgt.u32 s12, $0x7FFF  }
0x2e4: {  	p2 =	seq.s32 @!p1 s12, s8  }
0x2e5: {  	p1 =	por p1, p2  }
0x2e6: {  	p2 =	sne.s32 @!p1 s12, s7  }
0x2e7: {  	p1 =	por p1, !p2  }
0x2e8: {  	s0 =	sshll.u32 @p1 s11, $0x6  }
0x2e9: {  	s0 =	sand.u32 @!p1 $0x7FF8, s12  }
0x2ea: {  	s1 =	sand.u32 @!p1 $0x7, s12;
	s0 =	sadd.s32 @!p1 s3, s0  }
0x2eb: {  	[tilespmem:s10], [sflag:$0x6] =	stream.linear.gather @!p1 [hbm4b:s0+s1], $0x8, $0x38;
	[tilespmem:$0x1F0F8] =	vst v63  }
0x2ec: {  	_ =	swait.ge @!p1 [sflag:s9], $0x8  }
0x2ed: {  	[sflag:s9] =	ssyncset.done @!p1 $0x0  }
0x2ee: {  	[sflag:s9] =	ssyncadd.s32 @!p1 $0xFFFFFFF8  }
0x2ef: {  	v1 =	vld @!p1 [tilespmem:$0x3638];
	_ =	sdelay $0x2  }
0x2f0: {  	s0 =	sshll.u32 @!p1 s11, $0x6  }
0x2f1: {  	s1 =	sshrl.u32 @!p1 s0, $0x2  }
0x2f2: {  	[tilespmem:s1+$0x3678] =	vst.add.f32.msk @!p1 $0xffff, v1  }
0x2f3: {  	s0 =	sshrl.u32 s0, $0x2;
	[tilespmem:s6+$0x3658] =	vst.msk $0x1, v0  }
0x2f4: {  	v0 =	vld [tilespmem:s0+$0x3678];
	_ =	sdelay $0x2  }
0x2f5: {  	s31 =	sshll.u32 s6, $0x6  }
0x2f6: {  	s0 =	sshra.s32 s31, $0x2  }
0x2f7: {  	s6 =	sadd.s32 $0x1, s6;
	[tilespmem:s0+$0x3678] =	vst v0  }
.LBB2_32:
0x2f8: {  	s11 =	sadd.s32 $0x1, s11  }
0x2f9: {  	p1 =	sne.s32 s11, $0x20  }
.Ltmp21:
0x2fa: {  	_ = 	snop;
	(pc) =	sbr.rel @!p1 .LBB2_33-.Ltmp21, $1  }
0x2fb: {  	_ =	sdelay $0x3  }
.LBB2_25:
0x2fc: {  	v0 =	vld.msk [tilespmem:s11+$0x3658], $0x1;
	_ =	sdelay $0x4  }
0x2fd: {  	(v2sf) =	vpush v0, $0x0;
	_ =	sdelay $0xe  }
0x2fe: {  	s12 =	spop (v2sf)  }
0x2ff: {  	p1 =	seq.s32 s12, $0xFFFFFFFF  }
.Ltmp22:
0x300: {  	_ = 	snop;
	(pc) =	sbr.rel @p1 .LBB2_32-.Ltmp22, $1  }
0x301: {  	_ =	sdelay $0x3  }
0x302: {  	p1 =	slt.s32 s6, $0x1  }
.Ltmp23:
0x303: {  	_ = 	snop;
	(pc) =	sbr.rel @p1 .LBB2_30-.Ltmp23, $1  }
0x304: {  	_ =	sdelay $0x3  }
0x305: {  	s13 =	simm.s32 $0x3658;
	p1 =	por $0x0, $0x0  }
0x306: {  	v1 =	vld.msk @!p1 [tilespmem:s13+$0x0], $0x1;
	_ =	sdelay $0x4  }
0x307: {  	(v2sf) =	vpush @!p1 v1, $0x0;
	_ =	sdelay $0xd  }
0x308: {  	p3 =	sne.s32 s6, $0x1  }
.Ltmp24:
0x309: {  	s0 =	spop @!p1 (v2sf);
	(pc) =	sbr.rel @!p3 .LBB2_29-.Ltmp24, $4  }
0x30a: {  	p2 =	seq.s32 @!p1 s12, s0  }
0x30b: {  	s14 =	simm.s32 $0x0;
	p2 =	por !p2, p1  }
0x30c: {  	s0 =	simm.s32 $0xFFFFFFFF;
	s14 =	simm.s32 @p2 $0xFFFFFFFF  }
0x30d: {  	s15 =	simm.s32 $0x1;
	s14 =	smov.u32 @p1 s0  }
.LBB2_28:
0x30e: {  	s0 =	smov.u32 s14;
	p1 =	sne.s32 s14, $0xFFFFFFFF  }
0x30f: {  	s13 =	sadd.s32 $0x1, s13;
	s14 =	smov.u32 s15;
	s15 =	sadd.s32 $0x1, s15  }
0x310: {  	p2 =	sne.s32 s6, s15;
	v1 =	vld.msk @!p1 [tilespmem:s13+$0x0], $0x1;
	_ =	sdelay $0x4  }
0x311: {  	(v2sf) =	vpush @!p1 v1, $0x0;
	_ =	sdelay $0xe  }
.Ltmp25:
0x312: {  	s1 =	spop @!p1 (v2sf);
	(pc) =	sbr.rel @p2 .LBB2_28-.Ltmp25, $4  }
0x313: {  	p3 =	seq.s32 @!p1 s12, s1  }
0x314: {  	p3 =	por !p3, p1  }
0x315: {  	s14 =	simm.s32 @p3 $0xFFFFFFFF  }
0x316: {  	s14 =	smov.u32 @p1 s0  }
.LBB2_29:
0x317: {  	p1 =	sne.s32 s14, $0xFFFFFFFF  }
.Ltmp26:
0x318: {  	_ = 	snop;
	(pc) =	sbr.rel @!p1 .LBB2_30-.Ltmp26, $1  }
0x319: {  	_ =	sdelay $0x3  }
0x31a: {  	s0 =	sshll.u32 s11, $0x4  }
0x31b: {  	s0 =	sand.u32 $0x3FFFFFF0, s0  }
0x31c: {  	v0 =	vld [tilespmem:s0+$0x3678]  }
.Ltmp27:
0x31d: {  	_ = 	snop;
	(pc) =	sbr.rel .LBB2_32-.Ltmp27, $4  }
0x31e: {  	_ = 	snop  }
0x31f: {  	s31 =	sshll.u32 s14, $0x6  }
0x320: {  	s0 =	sshra.s32 s31, $0x2  }
0x321: {  	[tilespmem:s0+$0x3678] =	vst.add.f32.msk $0xffff, v0  }
.LBB2_33:
0x322: {  	s0 =	simm.s32 $0x6;
	p1 =	seq.s32 s6, $0x0  }
0x323: {  	[sflag:s0] =	ssyncpa.u1 $0x1;
	v0 =	vimm.s32 @p1 $0xFFFFFFFF  }
0x324: {  	s9 =	sadd.s32 $0xFFFFFFFF, s6;
	[tilespmem:$0x3878] =	vst @p1 v0  }
0x325: {  	v0 =	vld.msk @!p1 [tilespmem:s9+$0x3658], $0x1;
	_ =	sdelay $0x1  }
0x326: {  	v1 =	vld.msk @!p1 [tilespmem:$0x3658], $0x1;
	_ =	sdelay $0x2  }
0x327: {  	p2 =	seq.s32 @!p1 s9, $0x0;
	v0 =	vbroadcast @!p1 v0, $0x0  }
0x328: {  	vm0 =	vmmov @!p1 $0x1;
	p2 =	por !p2, p1  }
0x329: {  	v1 =	vnsel @!p1 vm0, $0xFFFFFFFF, v1;
	vm0 =	vcmask @!p1 $0x308;
	v0 =	vpsel !p2, $0xFFFFFFFF, v0  }
0x32a: {  	p2 =	sne.s32 @!p1 s8, s7;
	v0 =	vsel @!p1 vm0, v1, v0  }
0x32b: {  	s0 =	simm.s32 @!p1 $0x3678;
	s1 =	simm.s32 @!p1 $0x0;
	p3 =	por !p2, p1;
	[tilespmem:$0x3878] =	vst @!p1 v0  }
0x32c: {  	[spmem:s1] =	stream.linear.scatter @!p1 [tilespmem:s0], [sflag:$0x1], $0x10, $0x38;
	[tilespmem:$0x1F0F8] =	vst v63  }
0x32d: {  	s0 =	sshll.u32 @!p3 s9, $0x6  }
0x32e: {  	s0 =	sshra.s32 @!p3 s0, $0x2  }
0x32f: {  	s1 =	simm.s32 @!p3 $0x10;
	s0 =	sadd.s32 @!p3 $0x3678, s0  }
0x330: {  	[spmem:s1] =	stream.linear.scatter @!p3 [tilespmem:s0], [sflag:$0x1], $0x10, $0x38;
	[tilespmem:$0x1F0F8] =	vst v63  }
0x331: {  	s0 =	simm.s32 @!p3 $0x1  }
0x332: {  	_ =	swait.ge @!p3 [sflag:s0], $0x20  }
0x333: {  	p1 =	por p2, p1;
	[sflag:s0] =	ssyncset.done @!p3 $0x0  }
0x334: {  	[sflag:s0] =	ssyncadd.s32 @!p3 $0xFFFFFFE0;
	s0 =	simm.s32 @!p1 $0x1  }
0x335: {  	_ =	swait.ge @!p1 [sflag:s0], $0x10  }
0x336: {  	s29 =	simm.s32 $0x3878;
	[sflag:s0] =	ssyncset.done @!p1 $0x0  }
0x337: {  	s30 =	simm.s32 $0x200;
	s31 =	simm.s32 $0x1;
	[sflag:s0] =	ssyncadd.s32 @!p1 $0xFFFFFFF0  }
0x338: {  	[spmem:s30] =	stream.linear.scatter [tilespmem:s29], [sflag:$0x1], $0x10, $0x38;
	[tilespmem:$0x1F0F8] =	vst v63  }
0x339: {  	_ =	swait.ge [sflag:s31], $0x10  }
0x33a: {  	[sflag:s31] =	ssyncset.done $0x0  }
0x33b: {  	p1 =	seq.s32 s17, $0x0;
	s8 =	rddreg [dreg:$0x1];
	[sflag:s31] =	ssyncadd.s32 $0xFFFFFFF0  }
0x33c: {  	s1 =	sshll.u32 @p1 s8, $0xE;
	s7 =	rddreg [dreg:$0x2]  }
0x33d: {  	s0 =	sadd.s32 @p1 $0x15C3C, s1;
	s1 =	sshll.u32 @p1 s7, $0x11  }
0x33e: {  	_ =	sfence.stream.spmem;
	s0 =	sor.u32 @p1 s1, s0  }
0x33f: {  	[sflag:s0] =	ssyncadd.remote.s32 @p1 $0x1;
	s0 =	simm.s32 @p1 $0x4  }
0x340: {  	s2 =	simm.s32 @!p1 $0x3C;
	s1 =	sand.u32 $0xFFFFFFFE, s8;
	_ =	swait.ge @p1 [sflag:s0], $0x6  }
0x341: {  	s4 =	simm.s32 @!p1 $0x0;
	s1 =	sadd.s32 @!p1 $0x4, s1;
	[sflag:s0] =	ssyncset.done @p1 $0x0  }
0x342: {  	s5 =	simm.s32 @!p1 $0x20;
	[sflag:s0] =	ssyncadd.s32 @p1 $0xFFFFFFFA;
	s0 =	sshll.u32 @!p1 s1, $0x1A  }
0x343: {  	s1 =	sshll.u32 @!p1 s1, $0xD;
	s0 =	sor.u32 @!p1 s0, s7;
	_ =	swait.eq @!p1 [sflag:s2], $0x1  }
0x344: {  	s1 =	sor.u32 @!p1 $0x1C04, s1;
	s2 =	simm.s32 @!p1 $0x1C03;
	s0 =	sor.u32 @!p1 $0x80004000, s0  }
0x345: {  	[spmem:s5], [sflag:s1] =	dma.general @!p1 [spmem:s4], [sflag:s2], length:$0x4, [dreg:$0x0], stride_count:$0x0, ici_dest:s0, dma_misc:DstOpCode:WRITE  }
0x346: {  	p2 =	slt.s32 s9, $0x2;
	s4 =	simm.s32 @!p1 $0x40;
	s5 =	simm.s32 @!p1 $0x42  }
0x347: {  	[spmem:s5], [sflag:s1] =	dma.general @!p1 [spmem:s4], [sflag:s2], length:$0x2, [dreg:$0x0], stride_count:$0x0, ici_dest:s0, dma_misc:DstOpCode:WRITE  }
.Ltmp28:
0x348: {  	s0 =	simm.s32 @!p1 $0x3;
	(pc) =	sbr.rel @p2 .LBB2_37-.Ltmp28, $4  }
0x349: {  	s1 =	sshll.u32 @!p1 s8, $0xE;
	_ =	swait.ge @!p1 [sflag:s0], $0x6  }
0x34a: {  	s2 =	sshll.u32 @!p1 s7, $0x11;
	s1 =	sadd.s32 @!p1 $0x11C3C, s1;
	[sflag:s0] =	ssyncset.done @!p1 $0x0  }
0x34b: {  	[sflag:s0] =	ssyncadd.s32 @!p1 $0xFFFFFFFA;
	s0 =	sor.u32 @!p1 s2, s1  }
0x34c: {  	[sflag:s0] =	ssyncadd.remote.s32 @!p1 $0xFFFFFFFF;
	s0 =	simm.s32 $0x0  }
0x34d: {  	s0 =	simm.s32 $0x3659  }
0x34e: {  	v0 =	vld.msk [tilespmem:s0+$0x0], $0x1;
	_ =	sdelay $0x4  }
0x34f: {  	(v2sf) =	vpush v0, $0x0;
	_ =	sdelay $0xd  }
0x350: {  	s2 =	sadd.s32 $0xFFFFFFFE, s6  }
0x351: {  	s2 =	sadd.s32 $0xFFFFFFFF, s2;
	s0 =	spop (v2sf)  }
0x352: {  	p2 =	sne.s32 s2, $0x0;
	p1 =	sgt.u32 s0, $0x7FFF  }
.Ltmp29:
0x353: {  	s4 =	sand.u32 @!p1 $0x7FF8, s0;
	(pc) =	sbr.rel @!p2 .LBB2_36-.Ltmp29, $4  }
0x354: {  	s1 =	simm.s32 $0x3688;
	s0 =	sand.u32 @!p1 $0x7, s0;
	s4 =	sadd.s32 @!p1 s3, s4  }
0x355: {  	[hbm4b:s4+s0] =	stream.linear.scatter @!p1 [tilespmem:s1], [sflag:$0x5], $0x8, $0x38;
	[tilespmem:$0x1F0F8] =	vst v63  }
0x356: {  	s0 =	simm.s32 $0x0  }
0x357: {  	s6 =	simm.s32 $0x0;
	s7 =	simm.s32 $0x365A;
	s0 =	simm.s32 @!p1 $0x20  }
.LBB2_35:
0x358: {  	v0 =	vld.msk [tilespmem:s7+$0x0], $0x1;
	s2 =	sadd.s32 $0xFFFFFFFF, s2;
	s6 =	sadd.s32 s6, s0  }
0x359: {  	p1 =	sne.s32 s2, $0x0;
	_ =	sdelay $0x3  }
0x35a: {  	(v2sf) =	vpush v0, $0x0;
	_ =	sdelay $0xe  }
.Ltmp30:
0x35b: {  	s4 =	spop (v2sf);
	(pc) =	sbr.rel @p1 .LBB2_35-.Ltmp30, $4  }
0x35c: {  	s0 =	simm.s32 $0x0;
	p2 =	sgt.u32 s4, $0x7FFF  }
0x35d: {  	s1 =	sadd.s32 $0x10, s1;
	s0 =	simm.s32 @!p2 $0x20;
	s5 =	sand.u32 @!p2 $0x7FF8, s4  }
0x35e: {  	s7 =	sadd.s32 $0x1, s7;
	s4 =	sand.u32 @!p2 $0x7, s4;
	s5 =	sadd.s32 @!p2 s3, s5  }
0x35f: {  	[hbm4b:s5+s4] =	stream.linear.scatter @!p2 [tilespmem:s1], [sflag:$0x5], $0x8, $0x38;
	[tilespmem:$0x1F0F8] =	vst v63  }
.LBB2_36:
0x360: {  	s0 =	sadd.s32 s6, s0  }
0x361: {  	s0 =	sshrl.u32 s0, $0x2  }
.LBB2_37:
0x362: {  	s1 =	simm.s32 $0x5  }
0x363: {  	_ =	swait.ge [sflag:s1], s0  }
0x364: {  	s31 =	ssub.s32 $0x0, s0;
	[sflag:s1] =	ssyncset.done $0x0  }
0x365: {  	[sflag:s1] =	ssyncadd.s32 s31  }
0x366: {  	[sflag:s1] =	ssyncpa.u1 $0x1  }
.LBB2_38:
0x367: {  	s0 =	sor.u32 s17, s16  }
0x368: {  	p1 =	sne.s32 s0, $0x0  }
.Ltmp31:
0x369: {  	_ = 	snop;
	(pc) =	sbr.rel @p1 .LBB2_53-.Ltmp31, $3  }
0x36a: {  	_ =	sdelay $0x1  }
0x36b: {  	[bflag:$0x0] =	sbarrier.arrive $0xFFFF  }
0x36c: {  	_ =	sfence  }
0x36d: {  	s0 =	simm.s32 $0x7  }
0x36e: {  	s1 =	simm.s32 $0x200;
	s2 =	simm.s32 $0x3658;
	[sflag:s0] =	ssyncpa.u1 $0x0  }
0x36f: {  	[tilespmem:s2], [sflag:$0x7] =	stream.linear.gather [spmem:s1], $0x20, $0x38;
	[tilespmem:$0x1F0F8] =	vst v63  }
0x370: {  	s30 =	simm.s32 $0x3678;
	s1 =	simm.s32 $0x0  }
0x371: {  	[tilespmem:s30], [sflag:$0x7] =	stream.linear.gather [spmem:s1], $0x200, $0x38;
	[tilespmem:$0x1F0F8] =	vst v63  }
.Ltmp32:
0x372: {  	_ = 	snop;
	(pc) =	sbr.rel .LBB2_40-.Ltmp32, $4  }
0x373: {  	_ =	swait.ge [sflag:s0], $0x220  }
0x374: {  	[sflag:s0] =	ssyncset.done $0x0  }
0x375: {  	s31 =	simm.s32 $0x8;
	[sflag:s0] =	ssyncadd.s32 $0xFFFFFDE0  }
0x376: {  	s2 =	simm.s32 $0x0;
	[sflag:s31] =	ssyncpa.u1 $0x0  }
.LBB2_45:
0x377: {  	p1 =	slt.u32 s4, $0x8000  }
0x378: {  	s0 =	sand.u32 @p1 $0x7FF8, s4  }
0x379: {  	s4 =	sand.u32 @p1 $0x7, s4;
	s5 =	simm.s32 @p1 $0x3638;
	s0 =	sadd.s32 @p1 s3, s0  }
0x37a: {  	[tilespmem:s5], [sflag:$0x8] =	stream.linear.gather @p1 [hbm4b:s0+s4], $0x8, $0x38;
	[tilespmem:$0x1F0F8] =	vst v63  }
0x37b: {  	s0 =	simm.s32 @p1 $0x8  }
0x37c: {  	_ =	swait.ge @p1 [sflag:s0], $0x8  }
0x37d: {  	[sflag:s0] =	ssyncset.done @p1 $0x0  }
0x37e: {  	[sflag:s0] =	ssyncadd.s32 @p1 $0xFFFFFFF8  }
0x37f: {  	v1 =	vld @p1 [tilespmem:$0x3638];
	_ =	sdelay $0x2  }
0x380: {  	s0 =	sshll.u32 @p1 s2, $0x6  }
0x381: {  	s5 =	sshll.u32 @!p1 s2, $0x6;
	s4 =	sshrl.u32 @p1 s0, $0x2  }
0x382: {  	s5 =	smov.u32 @p1 s0;
	[tilespmem:s4+$0x3678] =	vst.add.f32.msk @p1 $0xffff, v1  }
0x383: {  	s0 =	sshrl.u32 s5, $0x2;
	[tilespmem:s1+$0x3658] =	vst.msk $0x1, v0  }
0x384: {  	v0 =	vld [tilespmem:s0+$0x3678];
	_ =	sdelay $0x2  }
0x385: {  	s31 =	sshll.u32 s1, $0x6  }
0x386: {  	s0 =	sshra.s32 s31, $0x2  }
0x387: {  	s1 =	sadd.s32 $0x1, s1;
	[tilespmem:s0+$0x3678] =	vst v0  }
.LBB2_47:
0x388: {  	s2 =	sadd.s32 $0x1, s2  }
0x389: {  	p1 =	sne.s32 s2, $0x20  }
.Ltmp33:
0x38a: {  	_ = 	snop;
	(pc) =	sbr.rel @!p1 .LBB2_48-.Ltmp33, $1  }
0x38b: {  	_ =	sdelay $0x3  }
.LBB2_40:
0x38c: {  	v0 =	vld.msk [tilespmem:s2+$0x3658], $0x1;
	_ =	sdelay $0x4  }
0x38d: {  	(v2sf) =	vpush v0, $0x0;
	_ =	sdelay $0xe  }
0x38e: {  	s4 =	spop (v2sf)  }
0x38f: {  	p1 =	seq.s32 s4, $0xFFFFFFFF  }
.Ltmp34:
0x390: {  	_ = 	snop;
	(pc) =	sbr.rel @p1 .LBB2_47-.Ltmp34, $1  }
0x391: {  	_ =	sdelay $0x3  }
0x392: {  	p1 =	slt.s32 s1, $0x1  }
.Ltmp35:
0x393: {  	_ = 	snop;
	(pc) =	sbr.rel @p1 .LBB2_45-.Ltmp35, $1  }
0x394: {  	_ =	sdelay $0x3  }
0x395: {  	s5 =	simm.s32 $0x3658;
	p1 =	por $0x0, $0x0  }
0x396: {  	v1 =	vld.msk @!p1 [tilespmem:s5+$0x0], $0x1;
	_ =	sdelay $0x4  }
0x397: {  	(v2sf) =	vpush @!p1 v1, $0x0;
	_ =	sdelay $0xd  }
0x398: {  	p3 =	sne.s32 s1, $0x1  }
.Ltmp36:
0x399: {  	s0 =	spop @!p1 (v2sf);
	(pc) =	sbr.rel @!p3 .LBB2_44-.Ltmp36, $4  }
0x39a: {  	p2 =	seq.s32 @!p1 s4, s0  }
0x39b: {  	s6 =	simm.s32 $0x0;
	p2 =	por !p2, p1  }
0x39c: {  	s0 =	simm.s32 $0xFFFFFFFF;
	s6 =	simm.s32 @p2 $0xFFFFFFFF  }
0x39d: {  	s7 =	simm.s32 $0x1;
	s6 =	smov.u32 @p1 s0  }
.LBB2_43:
0x39e: {  	s0 =	smov.u32 s6;
	p1 =	sne.s32 s6, $0xFFFFFFFF  }
0x39f: {  	s5 =	sadd.s32 $0x1, s5;
	s6 =	smov.u32 s7;
	s7 =	sadd.s32 $0x1, s7  }
0x3a0: {  	p2 =	sne.s32 s1, s7;
	v1 =	vld.msk @!p1 [tilespmem:s5+$0x0], $0x1;
	_ =	sdelay $0x4  }
0x3a1: {  	(v2sf) =	vpush @!p1 v1, $0x0;
	_ =	sdelay $0xe  }
.Ltmp37:
0x3a2: {  	s8 =	spop @!p1 (v2sf);
	(pc) =	sbr.rel @p2 .LBB2_43-.Ltmp37, $4  }
0x3a3: {  	p3 =	seq.s32 @!p1 s4, s8  }
0x3a4: {  	p3 =	por !p3, p1  }
0x3a5: {  	s6 =	simm.s32 @p3 $0xFFFFFFFF  }
0x3a6: {  	s6 =	smov.u32 @p1 s0  }
.LBB2_44:
0x3a7: {  	p1 =	sne.s32 s6, $0xFFFFFFFF  }
.Ltmp38:
0x3a8: {  	_ = 	snop;
	(pc) =	sbr.rel @!p1 .LBB2_45-.Ltmp38, $1  }
0x3a9: {  	_ =	sdelay $0x3  }
0x3aa: {  	s0 =	sshll.u32 s2, $0x4  }
0x3ab: {  	s0 =	sand.u32 $0x3FFFFFF0, s0  }
0x3ac: {  	v0 =	vld [tilespmem:s0+$0x3678]  }
.Ltmp39:
0x3ad: {  	_ = 	snop;
	(pc) =	sbr.rel .LBB2_47-.Ltmp39, $4  }
0x3ae: {  	_ = 	snop  }
0x3af: {  	s31 =	sshll.u32 s6, $0x6  }
0x3b0: {  	s0 =	sshra.s32 s31, $0x2  }
0x3b1: {  	[tilespmem:s0+$0x3678] =	vst.add.f32.msk $0xffff, v0  }
.LBB2_48:
0x3b2: {  	p1 =	slt.s32 s1, $0x1  }
.Ltmp40:
0x3b3: {  	_ = 	snop;
	(pc) =	sbr.rel @p1 .LBB2_52-.Ltmp40, $3  }
0x3b4: {  	_ =	sdelay $0x1  }
0x3b5: {  	s0 =	simm.s32 $0x8  }
0x3b6: {  	s2 =	simm.s32 $0x0;
	[sflag:s0] =	ssyncpa.u1 $0x1  }
0x3b7: {  	s0 =	simm.s32 $0x3658  }
0x3b8: {  	v0 =	vld.msk [tilespmem:s0+$0x0], $0x1;
	_ =	sdelay $0x4  }
0x3b9: {  	(v2sf) =	vpush v0, $0x0;
	_ =	sdelay $0xe  }
0x3ba: {  	s1 =	sadd.s32 $0xFFFFFFFF, s1;
	s0 =	spop (v2sf)  }
0x3bb: {  	p2 =	sne.s32 s1, $0x0;
	p1 =	sgt.u32 s0, $0x7FFF  }
.Ltmp41:
0x3bc: {  	s5 =	sand.u32 @!p1 $0x7FF8, s0;
	(pc) =	sbr.rel @!p2 .LBB2_51-.Ltmp41, $4  }
0x3bd: {  	s4 =	simm.s32 $0x3678;
	s0 =	sand.u32 @!p1 $0x7, s0;
	s5 =	sadd.s32 @!p1 s3, s5  }
0x3be: {  	[hbm4b:s5+s0] =	stream.linear.scatter @!p1 [tilespmem:s4], [sflag:$0x7], $0x8, $0x38;
	[tilespmem:$0x1F0F8] =	vst v63  }
0x3bf: {  	s0 =	simm.s32 $0x0  }
0x3c0: {  	s5 =	simm.s32 $0x3659;
	s0 =	simm.s32 @!p1 $0x20  }
.LBB2_50:
0x3c1: {  	v0 =	vld.msk [tilespmem:s5+$0x0], $0x1;
	s1 =	sadd.s32 $0xFFFFFFFF, s1;
	s2 =	sadd.s32 s2, s0  }
0x3c2: {  	p1 =	sne.s32 s1, $0x0;
	_ =	sdelay $0x3  }
0x3c3: {  	(v2sf) =	vpush v0, $0x0;
	_ =	sdelay $0xe  }
.Ltmp42:
0x3c4: {  	s6 =	spop (v2sf);
	(pc) =	sbr.rel @p1 .LBB2_50-.Ltmp42, $4  }
0x3c5: {  	s0 =	simm.s32 $0x0;
	p2 =	sgt.u32 s6, $0x7FFF  }
0x3c6: {  	s4 =	sadd.s32 $0x10, s4;
	s0 =	simm.s32 @!p2 $0x20;
	s7 =	sand.u32 @!p2 $0x7FF8, s6  }
0x3c7: {  	s5 =	sadd.s32 $0x1, s5;
	s6 =	sand.u32 @!p2 $0x7, s6;
	s7 =	sadd.s32 @!p2 s3, s7  }
0x3c8: {  	[hbm4b:s7+s6] =	stream.linear.scatter @!p2 [tilespmem:s4], [sflag:$0x7], $0x8, $0x38;
	[tilespmem:$0x1F0F8] =	vst v63  }
.LBB2_51:
0x3c9: {  	s0 =	sadd.s32 s2, s0  }
0x3ca: {  	s2 =	sshrl.u32 s0, $0x2  }
.LBB2_52:
0x3cb: {  	s0 =	simm.s32 $0x7  }
0x3cc: {  	_ =	swait.ge [sflag:s0], s2  }
0x3cd: {  	s1 =	ssub.s32 $0x0, s2;
	[sflag:s0] =	ssyncset.done $0x0  }
0x3ce: {  	[sflag:s0] =	ssyncadd.s32 s1  }
0x3cf: {  	[sflag:s0] =	ssyncpa.u1 $0x1  }
.LBB2_53:
0x3d0: {  	_ =	sfence;
	s0 =	simm.s32 $0x1  }
0x3d1: {  	[sflag:s0] =	ssyncpa.u1 $0x1  }
0x3d2: {  	_ =	strace $0x9000004A  }
0x3d3: {  	[bflag:$0x2] =	sbarrier.arrive $0xFFFF  }
0x3d4: {  	s0 =	rddreg [dreg:$0x3]  }
0x3d5: {  	s0 =	sadd.s32 @!p0 $0x100000, s0  }
0x3d6: {  	[sflag:s0] =	ssyncadd.tile.s32 @!p0 $0x1;
	_ =	shalt  }
.Lfunc_end2:
_tile_overlayer_lowered:
.L_overlay_start_2:
0x3d7: {  	(tag) =	ssettag $0x2  }
0x3d8: {  	s0 =	rddreg [dreg:$0x0];
	s2 =	stileid.u32  }
0x3d9: {  	s1 =	rddreg [dreg:$0x1];
	p0 =	sne.s32 s2, $0x0  }
0x3da: {  	s3 =	rddreg [dreg:$0x2];
	[bflag:$0x3] =	sbarrier.arrive $0xFFFF;
	s2 =	simm.s32 @!p0 $0x1C01  }
0x3db: {  	[timem:s3], [sflag:s2] =	dma.local @!p0 [hbm:s0], s1  }
0x3dc: {  	s0 =	simm.s32 @!p0 $0x1  }
0x3dd: {  	_ =	swait.ge @!p0 [sflag:s0], s1  }
0x3de: {  	s1 =	ssub.s32 @!p0 $0x0, s1;
	[sflag:s0] =	ssyncset.done @!p0 $0x0  }
0x3df: {  	[sflag:s0] =	ssyncadd.s32 @!p0 s1  }
0x3e0: {  	[bflag:$0x3] =	sbarrier.arrive $0xFFFF  }
0x3e1: {  	_ =	shalt  }

// kernel: scatter_offload_async_start
scs
__scs_entry_jumppad:
0x0: {  	(pc) =	sbr.rel $0x88, $3  }
0x1: {  	(tag) =	ssettag $0x0;
	lr =	simm.s32 $0x1  }
0x2: {  	[smem:$0x3F8E] =	sst lr;
	_ =	strace $0xD0000000  }
0x3: {  	_ = 	snop  }
0x4: {  	_ = 	snop  }
0x5: {  	_ = 	snop  }
0x6: {  	_ = 	snop  }
0x7: {  	_ = 	snop  }
__scs_overlays_trampoline_lowered:
0x8: {  	[smem:$0x3F9D] =	sst s0  }
0x9: {  	[smem:$0x3F9E] =	sst s1  }
0xa: {  	[smem:$0x3F9F] =	sst s2  }
0xb: {  	[smem:$0x3FA0] =	sst s3  }
0xc: {  	[smem:$0x3FA1] =	sst s4  }
0xd: {  	[smem:$0x3FA2] =	sst s5  }
0xe: {  	[smem:$0x3FA3] =	sst s6  }
0xf: {  	[smem:$0x3FA4] =	sst s7  }
0x10: {  	[smem:$0x3FA5] =	sst s8  }
0x11: {  	[smem:$0x3FA6] =	sst s9;
	s0 =	simm.s32 @!p0 $0x0  }
0x12: {  	s1 =	sld [smem:$0x3F8C];
	s0 =	simm.s32 @p0 $0x1  }
0x13: {  	[smem:$0x3FA7] =	sst s0;
	s0 =	simm.s32 @!p1 $0x0  }
0x14: {  	s2 =	sld [smem:$0x3F8B];
	s0 =	simm.s32 @p1 $0x1  }
0x15: {  	[smem:$0x3FA8] =	sst s0;
	s0 =	simm.s32 @!p2 $0x0  }
0x16: {  	s3 =	sld [smem:$0x3FDB];
	s0 =	simm.s32 @p2 $0x1  }
0x17: {  	s4 =	simm.s32 $0x1BF5;
	[smem:$0x3FAA] =	sst s0  }
0x18: {  	s0 =	sld [smem:$0x3F8D];
	_ =	swait.ge [sflag:s4], $0x0  }
0x19: {  	s7 =	sld [smem:$0x3F8E]  }
0x1a: {  	s8 =	sadd.s32 $0xFFFFE003, lr  }
0x1b: {  	s9 =	sadd.s32 $0xFFFFFEF7, lr;
	s5 =	simm.s32 $0xFFFFFFFF;
	p2 =	slt.u32 s8, $0xFFFFF086  }
0x1c: {  	p1 =	slt.u32 s9, $0xF7A;
	s5 =	simm.s32 @!p2 $0x0  }
0x1d: {  	s5 =	simm.s32 @p1 $0x1;
	p0 =	seq.s32 s7, s2  }
0x1e: {  	s7 =	smul.u32 @!p0 $0xF7A, s2;
	p2 =	seq.s32 @!p0 s5, $0x0  }
0x1f: {  	s9 =	smul.u32 $0xF7A, s1;
	s8 =	simm.s32 @!p0 $0x1BF5;
	p2 =	por !p2, p0  }
0x20: {  	[sflag:s8] =	ssyncset.s32 @!p0 $0xFFFFF086;
	s6 =	sadd.s32 @!p0 s3, s7;
	s7 =	simm.s32 @!p0 $0x108  }
0x21: {  	s3 =	sadd.s32 s3, s9;
	s6 =	sadd.s32 @!p0 $0x88, s6;
	s7 =	simm.s32 @p2 $0x1082  }
0x22: {  	[simem:s7], [sflag:s8] =	dma.local @!p0 [hbm:s6], $0xF7A  }
0x23: {  	s9 =	sor.u32 $0xD0000000, s2;
	s6 =	simm.s32 $0x108;
	_ =	swait.ge @!p0 [sflag:s8], $0x0  }
0x24: {  	s3 =	sadd.s32 $0x88, s3;
	s6 =	simm.s32 @!p1 $0x1082;
	[sflag:s4] =	ssyncset.s32 $0xFFFFF086  }
0x25: {  	[simem:s6], [sflag:s4] =	dma.local [hbm:s3], $0xF7A  }
0x26: {  	[smem:$0x3F8E] =	sst s1;
	(tag) =	ssettag s2;
	_ =	strace s9  }
0x27: {  	s1 =	sld [smem:$0x3F9E]  }
0x28: {  	s2 =	sld [smem:$0x3F9F]  }
0x29: {  	s4 =	sld [smem:$0x3FA1]  }
0x2a: {  	p0 =	seq.s32 s5, $0x0;
	s5 =	sld [smem:$0x3FA2]  }
0x2b: {  	s6 =	sld [smem:$0x3FA3]  }
0x2c: {  	s7 =	sld [smem:$0x3FA4]  }
0x2d: {  	s3 =	simm.s32 $0x108;
	s8 =	sld [smem:$0x3FA5]  }
0x2e: {  	s3 =	simm.s32 @!p0 $0x1082;
	s9 =	sld [smem:$0x3FA6]  }
0x2f: {  	lr =	sadd.s32 s0, s3;
	s0 =	sld [smem:$0x3F9D]  }
0x30: {  	s3 =	sld [smem:$0x3FA0]  }
0x31: {  	[smem:$0x3FA9] =	sst s10  }
0x32: {  	s10 =	sld [smem:$0x3FA7];
	_ =	sdelay $0x3  }
0x33: {  	p0 =	seq.s32 s10, $0x1;
	s10 =	sld [smem:$0x3FA9];
	_ =	sdelay $0x3  }
0x34: {  	[smem:$0x3FA9] =	sst s10  }
0x35: {  	s10 =	sld [smem:$0x3FA8];
	_ =	sdelay $0x3  }
0x36: {  	p1 =	seq.s32 s10, $0x1;
	s10 =	sld [smem:$0x3FA9];
	_ =	sdelay $0x3  }
0x37: {  	[smem:$0x3FA9] =	sst s10  }
0x38: {  	s10 =	sld [smem:$0x3FAA]  }
0x39: {  	_ = 	snop;
	(pc) =	sbr.ind lr, $3  }
0x3a: {  	_ = 	snop  }
0x3b: {  	_ = 	snop  }
0x3c: {  	p2 =	seq.s32 s10, $0x1;
	s10 =	sld [smem:$0x3FA9]  }
0x3d: {  	_ =	shalt  }
0x3e: {  	_ =	shalt  }
0x3f: {  	_ =	shalt  }
0x40: {  	_ =	shalt  }
0x41: {  	_ =	shalt  }
0x42: {  	_ =	shalt  }
0x43: {  	_ =	shalt  }
0x44: {  	_ =	shalt  }
0x45: {  	_ =	shalt  }
0x46: {  	_ =	shalt  }
0x47: {  	_ =	shalt  }
0x48: {  	_ =	shalt  }
0x49: {  	_ =	shalt  }
0x4a: {  	_ =	shalt  }
0x4b: {  	_ =	shalt  }
0x4c: {  	_ =	shalt  }
0x4d: {  	_ =	shalt  }
0x4e: {  	_ =	shalt  }
0x4f: {  	_ =	shalt  }
0x50: {  	_ =	shalt  }
0x51: {  	_ =	shalt  }
0x52: {  	_ =	shalt  }
0x53: {  	_ =	shalt  }
0x54: {  	_ =	shalt  }
0x55: {  	_ =	shalt  }
0x56: {  	_ =	shalt  }
0x57: {  	_ =	shalt  }
0x58: {  	_ =	shalt  }
0x59: {  	_ =	shalt  }
0x5a: {  	_ =	shalt  }
0x5b: {  	_ =	shalt  }
0x5c: {  	_ =	shalt  }
0x5d: {  	_ =	shalt  }
0x5e: {  	_ =	shalt  }
0x5f: {  	_ =	shalt  }
0x60: {  	_ =	shalt  }
0x61: {  	_ =	shalt  }
0x62: {  	_ =	shalt  }
0x63: {  	_ =	shalt  }
0x64: {  	_ =	shalt  }
0x65: {  	_ =	shalt  }
0x66: {  	_ =	shalt  }
0x67: {  	_ =	shalt  }
0x68: {  	_ =	shalt  }
0x69: {  	_ =	shalt  }
0x6a: {  	_ =	shalt  }
0x6b: {  	_ =	shalt  }
0x6c: {  	_ =	shalt  }
0x6d: {  	_ =	shalt  }
0x6e: {  	_ =	shalt  }
0x6f: {  	_ =	shalt  }
0x70: {  	_ =	shalt  }
0x71: {  	_ =	shalt  }
0x72: {  	_ =	shalt  }
0x73: {  	_ =	shalt  }
0x74: {  	_ =	shalt  }
0x75: {  	_ =	shalt  }
0x76: {  	_ =	shalt  }
0x77: {  	_ =	shalt  }
0x78: {  	_ =	shalt  }
0x79: {  	_ =	shalt  }
0x7a: {  	_ =	shalt  }
0x7b: {  	_ =	shalt  }
0x7c: {  	_ =	shalt  }
0x7d: {  	_ =	shalt  }
0x7e: {  	_ =	shalt  }
0x7f: {  	_ =	shalt  }
0x80: {  	_ =	shalt  }
0x81: {  	_ =	shalt  }
0x82: {  	_ =	shalt  }
0x83: {  	_ =	shalt  }
0x84: {  	_ =	shalt  }
0x85: {  	_ =	shalt  }
0x86: {  	_ =	shalt  }
0x87: {  	_ =	shalt  }
.Lfunc_end0:
.L_simem_size_0:
called_computation_lowered:
.L_overlay_start_0:
0x88: {  	s0 =	sld [smem:$0x3FD9]  }
0x89: {  	s1 =	sld [smem:$0x3FFE];
	_ =	sdelay $0x3  }
0x8a: {  	s0 =	sadd.s32 s1, s0  }
0x8b: {  	[smem:$0x3FB5] =	sst s0  }
0x8c: {  	_ = 	snop  }
0x8d: {  	s0 =	sld [smem:$0x3FD0];
	_ =	sdelay $0x2  }
0x8e: {  	s13 =	simm.s32 $0xA;
	s2 =	simm.s32 $0x10  }
0x8f: {  	[smem:s2], [sflag:s13] =	dma.local [hbm:s0], $0x1  }
0x90: {  	_ =	swait.eq [sflag:s13], $0x1  }
0x91: {  	[sflag:s13] =	ssyncset.done $0x0  }
0x92: {  	[sflag:s13] =	ssyncadd.s32 $0xFFFFFFFF  }
0x93: {  	s14 =	sld [smem:$0x10];
	(tm) =	ssettm $0x1  }
0x94: {  	s15 =	sld [smem:$0x3FFB];
	_ =	sdelay $0x3  }
0x95: {  	_ =	strace s15  }
0x96: {  	s1 =	sld [smem:$0x3FFC];
	_ =	sdelay $0x3  }
0x97: {  	_ =	strace s1  }
0x98: {  	s1 =	sld [smem:$0x3FFD];
	_ =	sdelay $0x3  }
0x99: {  	_ =	strace s1  }
0x9a: {  	_ =	strace $0x8FFFFFFF  }
0x9b: {  	s16 =	sld [smem:$0x3FDB];
	_ =	sdelay $0x1  }
0x9c: {  	s17 =	simm.s32 $_scs_section_size  }
0x9d: {  	s3 =	simm.s32 $_size__tile_overlayer_lowered;
	s4 =	simm.s32 $_tile_overlayer_lowered  }
0x9e: {  	s20 =	simm.s32 $0x1BFF;
	s19 =	sshll.u32 s4, $0x1;
	s1 =	sadd.s32 s17, s16  }
0x9f: {  	s5 =	simm.s32 $0x0;
	s18 =	sshll.u32 s3, $0x1;
	s3 =	sadd.s32 s19, s1  }
0xa0: {  	[timem:s5], [sflag:s20] =	dma.local [hbm:s3], s18  }
0xa1: {  	_ =	swait.ge [sflag:s20], s18  }
0xa2: {  	s2 =	ssub.s32 $0x0, s18;
	[sflag:s20] =	ssyncset.done $0x0  }
0xa3: {  	[sflag:s20] =	ssyncadd.s32 s2;
	_ =	sdelay $0x1  }
0xa4: {  	s21 =	simm.s32 $0x1B8B  }
0xa5: {  	_ =	swait.ge [sflag:s21], $0x1  }
0xa6: {  	[sflag:s21] =	ssyncset.done $0x0  }
0xa7: {  	s23 =	simm.s32 $0x1B8E;
	s22 =	sld [smem:$0x3FFE];
	[sflag:s21] =	ssyncadd.s32 $0xFFFFFFFF  }
0xa8: {  	s24 =	simm.s32 $execute0_lowered;
	[smem:$0x3FD2] =	sst s23  }
0xa9: {  	s3 =	sshll.u32 s24, $0x1;
	_ =	strace $0x80000046;
	[dreg:$0x1] =	wrdreg $0xFFFFFFFF  }
0xaa: {  	s25 =	simm.s32 $_size_execute0_lowered;
	s1 =	sadd.s32 s1, s3;
	[dreg:$0x0] =	wrdreg $0x0  }
0xab: {  	s3 =	sshll.u32 s25, $0x1;
	[dreg:$0x2] =	wrdreg s1  }
0xac: {  	[dreg:$0x3] =	wrdreg s3  }
0xad: {  	[dreg:$0x4] =	wrdreg $0xC0  }
0xae: {  	_ =	task [dreg:s5], $0x5FFFF  }
0xaf: {  	[dreg:$0x1] =	wrdreg $0xFFFFFFFF  }
0xb0: {  	[dreg:$0x0] =	wrdreg $0x60  }
0xb1: {  	[dreg:$0x2] =	wrdreg s14  }
0xb2: {  	[dreg:$0x3] =	wrdreg s22  }
0xb3: {  	[dreg:$0x4] =	wrdreg $0x9  }
0xb4: {  	_ =	task.clear_ibuf [dreg:s5], $0x5FFFF;
	_ =	strace $0x90000046  }
0xb5: {  	s26 =	simm.s32 $0x9;
	_ =	strace $0x80000048  }
0xb6: {  	_ =	swait.ge [sflag:s26], $0x1  }
0xb7: {  	[sflag:s26] =	ssyncadd.s32 $0xFFFFFFFF  }
0xb8: {  	_ =	strace $0x90000048  }
0xb9: {  	_ =	sfence  }
0xba: {  	s28 =	sld [smem:$0x0];
	_ =	sdelay $0x1  }
0xbb: {  	s29 =	srdreg.scid  }
0xbc: {  	s30 =	sshll.u32 s29, $0xD;
	s31 =	sshrl.u32 s29, $0x2  }
0xbd: {  	s2 =	sand.u32 $0x4000, s30;
	s1 =	sand.u32 $0x1, s29;
	s0 =	sadd.s32 s31, s28  }
0xbe: {  	s1 =	sor.u32 s2, s1;
	s0 =	sshll.u32 s0, $0x11  }
0xbf: {  	s0 =	sor.u32 s0, s1  }
0xc0: {  	s0 =	sadd.s32 $0x8F2B, s0  }
0xc1: {  	[sflag:s0] =	ssyncadd.remote.s32 $0x1  }
0xc2: {  	_ =	sfence.sel $0xFFFF  }
0xc3: {  	[dreg:$0x0] =	wrdreg $0xFFFFFFFF;
	(pc) =	sbr.abs _section_cstart, $3  }
0xc4: {  	[dreg:$0x1] =	wrdreg $0xFFFFFFFF  }
0xc5: {  	_ =	task.clear_ibuf [dreg:s5], $0x2FFFF;
	_ =	strace $0x9FFFFFFF  }
0xc6: {  	(tm) =	ssettm $0x7FFFFFFF  }
0xc7: {  	_ =	shalt  }
tec
execute0_lowered:
.L_overlay_start_1:
0x0: {  	(tag) =	ssettag $0x1  }
0x1: {  	s1 =	rddreg [dreg:$0x0]  }
0x2: {  	s4 =	rddreg [dreg:$0x1]  }
0x3: {  	s0 =	rddreg [dreg:$0x2];
	s5 =	stileid.u32  }
0x4: {  	_ =	strace $0x80000047;
	s3 =	simm.s32 $0x3E;
	p0 =	sne.s32 s5, $0x0  }
0x5: {  	[sflag:s3] =	ssyncpa.u1 $0x0;
	s2 =	simm.s32 @!p0 $0x1C3E;
	s6 =	simm.s32 @!p0 $0x0  }
0x6: {  	[spmem:s6], [sflag:s2] =	dma.local @!p0 [hbm:s1], $0x4000  }
0x7: {  	s2 =	simm.s32 @!p0 $0x3E  }
0x8: {  	_ =	swait.ge @!p0 [sflag:s2], $0x4000  }
0x9: {  	s7 =	simm.s32 $0x2;
	[sflag:s2] =	ssyncset.done @!p0 $0x0  }
.Ltmp0:
0xa: {  	s8 =	simm.s32 $0x0;
	[sflag:s2] =	ssyncadd.s32 @!p0 $0xFFFFC000;
	(pc) =	sbr.rel .LBB2_1-.Ltmp0, $4  }
0xb: {  	s9 =	simm.s32 $0x0;
	s5 =	sshll.u32 s5, $0x12;
	[bflag:$0x0] =	sbarrier.arrive $0xFFFF  }
0xc: {  	s10 =	smov.u32 s5;
	[sflag:s3] =	ssyncpa.u1 $0x1;
	s3 =	simm.s32 $0x1  }
0xd: {  	s6 =	sadd.s32 $0x40000, s5;
	s2 =	sadd.s32 $0x8DA00, s4;
	[sflag:s3] =	ssyncpa.u1 $0x0  }
0xe: {  	vm0 =	vmmov $0xffff;
	s4 =	sadd.s32 $0x10DC00, s4;
	(ifvalue) =	ssetifvalue $0x20000;
	[sflag:s7] =	ssyncpa.u1 $0x0  }
.LBB2_5:
0xf: {  	s9 =	sadd.s32 $0x1, s9  }
0x10: {  	p2 =	sne.s32 s9, $0x21  }
.Ltmp1:
0x11: {  	_ = 	snop;
	(pc) =	sbr.rel @!p2 .LBB2_6-.Ltmp1, $4  }
0x12: {  	_ = 	snop  }
0x13: {  	s11 =	sadd.s32 $0x2000, s10  }
0x14: {  	s10 =	smov.u32 s5;
	p1 =	slt.s32 s11, s6  }
0x15: {  	s10 =	smov.u32 @p1 s11  }
.LBB2_1:
0x16: {  	p1 =	seq.s32 s9, $0x20  }
0x17: {  	s11 =	sshll.u32 @!p1 s9, $0xD;
	p2 =	seq.s32 @!p1 s9, $0x0  }
0x18: {  	s11 =	sand.u32 @!p1 $0x2000, s11;
	p2 =	por p1, !p2  }
.Ltmp2:
0x19: {  	s13 =	sshrl.u32 @!p1 s10, $0x3;
	s12 =	sxor.u32 @!p1 $0x2000, s11;
	(pc) =	sbr.rel @!p2 .LBB2_5-.Ltmp2, $4  }
0x1a: {  	s16 =	sand.u32 @!p1 $0x7, s10;
	s14 =	sadd.s32 @!p1 s2, s13;
	s15 =	sadd.s32 @!p1 $0x2000, s12  }
0x1b: {  	[tilespmem:s15], [sflag:$0x2] =	stream.linear.gather @!p1 [hbm4b:s14+s16], $0x2000, $0x38;
	[tilespmem:$0xA000] =	vst v63  }
0x1c: {  	s13 =	sadd.s32 @!p1 s4, s13;
	s12 =	sadd.s32 @!p1 $0x6000, s12  }
0x1d: {  	[tilespmem:s12], [sflag:$0x2] =	stream.linear.gather @!p1 [hbm4b:s13+s16], $0x2000, $0x38;
	[tilespmem:$0xA000] =	vst v63  }
0x1e: {  	_ =	swait.ge [sflag:s7], $0x4000  }
0x1f: {  	s11 =	simm.s32 @p1 $0x0;
	[sflag:s7] =	ssyncset.done $0x0  }
0x20: {  	s13 =	sadd.s32 $0x2000, s11;
	[sflag:s7] =	ssyncadd.s32 $0xFFFFC000  }
0x21: {  	v0 =	vld.msk [tilespmem:s13+$0x0 ss:$0x1], $0xffff;
	_ =	sdelay $0x4  }
0x22: {  	v0 =	vmin.u32 v0, $0x20000;
	_ =	sdelay $0x3  }
0x23: {  	s12 =	simm.s32 $0x0;
	s11 =	sadd.s32 $0x6000, s11;
	s13 =	sadd.s32 $0x10, s13  }
0x24: {  	[spmem:s8] =	stream.indirect_vreg.scatter.add.s32 [tilespmem:s11], [sflag:$0x1], $0x1, v0, vm0, $0x4038;
	[tilespmem:$0xA000] =	vst v63  }
.LBB2_3:
0x25: {  	v0 =	vld.msk [tilespmem:s13+$0x0 ss:$0x1], $0xffff;
	s12 =	sadd.s32 $0x10, s12  }
0x26: {  	p1 =	slt.u32 s12, $0x1FF0;
	_ =	sdelay $0x4  }
0x27: {  	v0 =	vmin.u32 v0, $0x20000  }
.Ltmp3:
0x28: {  	(pc) =	sbr.rel @p1 .LBB2_3-.Ltmp3, $3  }
0x29: {  	_ =	sdelay $0x1  }
0x2a: {  	s13 =	sadd.s32 $0x10, s13;
	s11 =	sadd.s32 $0x10, s11  }
0x2b: {  	[spmem:s8] =	stream.indirect_vreg.scatter.add.s32 [tilespmem:s11], [sflag:$0x1], $0x1, v0, vm0, $0x4038;
	[tilespmem:$0xA000] =	vst v63  }
.Ltmp4:
0x2c: {  	(pc) =	sbr.rel .LBB2_5-.Ltmp4, $4  }
0x2d: {  	_ = 	snop  }
0x2e: {  	_ =	swait.ge [sflag:s3], $0x2000  }
0x2f: {  	[sflag:s3] =	ssyncset.done $0x0  }
0x30: {  	[sflag:s3] =	ssyncadd.s32 $0xFFFFE000  }
.LBB2_6:
0x31: {  	_ =	sfence.sel $0x180000  }
0x32: {  	s2 =	simm.s32 $0x2;
	[bflag:$0x0] =	sbarrier.arrive $0xFFFF  }
0x33: {  	s30 =	simm.s32 $0x1;
	[sflag:s2] =	ssyncpa.u1 $0x1  }
0x34: {  	[sflag:s30] =	ssyncpa.u1 $0x1  }
0x35: {  	_ =	sfence.stream.spmem  }
0x36: {  	s31 =	simm.s32 $0x3D;
	[bflag:$0x0] =	sbarrier.arrive $0xFFFF  }
0x37: {  	s2 =	simm.s32 @p0 $0x3D;
	[sflag:s31] =	ssyncpa.u1 $0x0  }
0x38: {  	[sflag:s2] =	ssyncpa.u1 @p0 $0x1  }
0x39: {  	[bflag:$0x0] =	sbarrier.arrive @p0 $0xFFFF  }
0x3a: {  	_ =	strace @p0 $0x90000047  }
0x3b: {  	s3 =	simm.s32 @!p0 $0x1C3D;
	s2 =	simm.s32 @!p0 $0x0;
	[bflag:$0x2] =	sbarrier.arrive @p0 $0xFFFF  }
0x3c: {  	[hbm:s1], [sflag:s3] =	dma.local @!p0 [spmem:s2], $0x4000  }
0x3d: {  	s1 =	simm.s32 @!p0 $0x3D  }
0x3e: {  	_ =	swait.ge @!p0 [sflag:s1], $0x4000  }
0x3f: {  	[sflag:s1] =	ssyncset.done @!p0 $0x0  }
0x40: {  	[sflag:s1] =	ssyncadd.s32 @!p0 $0xFFFFC000  }
0x41: {  	[sflag:s1] =	ssyncpa.u1 @!p0 $0x1  }
0x42: {  	[bflag:$0x0] =	sbarrier.arrive @!p0 $0xFFFF  }
0x43: {  	_ =	strace @!p0 $0x90000047  }
0x44: {  	s0 =	sadd.s32 @!p0 $0x100000, s0;
	[bflag:$0x2] =	sbarrier.arrive @!p0 $0xFFFF  }
0x45: {  	[sflag:s0] =	ssyncadd.tile.s32 @!p0 $0x1;
	_ =	shalt  }
.Lfunc_end2:
_tile_overlayer_lowered:
.L_overlay_start_2:
0x46: {  	(tag) =	ssettag $0x2  }
0x47: {  	s0 =	rddreg [dreg:$0x0];
	s2 =	stileid.u32  }
0x48: {  	s1 =	rddreg [dreg:$0x1];
	p0 =	sne.s32 s2, $0x0  }
0x49: {  	s3 =	rddreg [dreg:$0x2];
	[bflag:$0x3] =	sbarrier.arrive $0xFFFF;
	s2 =	simm.s32 @!p0 $0x1C01  }
0x4a: {  	[timem:s3], [sflag:s2] =	dma.local @!p0 [hbm:s0], s1  }
0x4b: {  	s0 =	simm.s32 @!p0 $0x1  }
0x4c: {  	_ =	swait.ge @!p0 [sflag:s0], s1  }
0x4d: {  	s1 =	ssub.s32 @!p0 $0x0, s1;
	[sflag:s0] =	ssyncset.done @!p0 $0x0  }
0x4e: {  	[sflag:s0] =	ssyncadd.s32 @!p0 s1  }
0x4f: {  	[bflag:$0x3] =	sbarrier.arrive $0xFFFF  }
0x50: {  	_ =	shalt  }

</sc_bundles>
